<compile_context>
chip_gen: v7x
topology: tpu7x:2x2x1
jax: 0.10.2.dev20260603
libtpu: 0.0.44.dev20260713+nightly
codegen_flags: <defaults>
</compile_context>

<pallas_src>
import functools

import jax
import jax.numpy as jnp
from jax import lax
from jax.experimental import pallas as pl
from jax.experimental.pallas import tpu as pltpu
from jax.experimental.pallas import tpu_sc as plsc

_N = 10000
_E = 320000
_D = 128
_NP = 10240
_EP = 327680
_PAD_BIN = 10016
_IB = 256
_JC = 1024

def _hist_sc_body(src_hbm, hist_hbm, idx_v, ones_v, zeros_v, hist_sh):
    c = lax.axis_index("c")
    s = lax.axis_index("s")
    w = c * 16 + s
    for k in range(8):
        ones_v[pl.ds(k * 16, 16)] = jnp.full((16,), 1.0, jnp.float32)
    for k in range(40):
        zeros_v[pl.ds(k * 16, 16)] = jnp.zeros((16,), jnp.float32)
    pltpu.sync_copy(zeros_v, hist_sh.at[pl.ds(s * 640, 640)])
    pltpu.sync_copy(src_hbm.at[w], idx_v)
    plsc.subcore_barrier()

    def chunk(j, carry):
        pltpu.sync_copy(ones_v, hist_sh.at[idx_v.at[j]], add=True)
        return carry

    lax.fori_loop(0, 80, chunk, 0)
    plsc.subcore_barrier()
    pltpu.sync_copy(hist_sh.at[pl.ds(s * 640, 640)],
                    hist_hbm.at[c, pl.ds(s * 640, 640)])


def _rank_body(hist_a, hist_b, noise_r, histT, noise_c, row_ref, col_ref,
               colacc):
    g = pl.program_id(0)

    @pl.when(g == 0)
    def _():
        colacc[...] = jnp.zeros((_NP // _JC, _JC), jnp.float32)

    ki = histT[:, 0:1] + histT[:, 1:2] + noise_c[...]
    ii = g * _IB + lax.broadcasted_iota(jnp.int32, (_IB, 1), 0)

    def kj(jc):
        return (hist_a[pl.ds(jc, 1), :] + hist_b[pl.ds(jc, 1), :]
                + noise_r[pl.ds(jc, 1), :])

    def reduce8(cnt, acc):
        for k in range(_JC // 128):
            acc = acc + cnt[:, k * 128:(k + 1) * 128]
        return acc

    def accumulate(jc, cnt, acc):
        colacc[pl.ds(jc, 1), :] = (colacc[pl.ds(jc, 1), :]
                                   + jnp.sum(cnt, axis=0, keepdims=True))
        return reduce8(cnt, acc)

    def le_body(jc, acc):
        return accumulate(jc, jnp.where(kj(jc) <= ki, 1.0, 0.0), acc)

    def mid_body(jc, acc):
        jj = jc * _JC + lax.broadcasted_iota(jnp.int32, (1, _JC), 1)
        cnt = jnp.where((kj(jc) <= ki) & (jj < ii), 1.0, 0.0)
        return accumulate(jc, cnt, acc)

    gd = g // (_JC // _IB)
    acc = jnp.zeros((_IB, 128), jnp.float32)
    acc = lax.fori_loop(0, gd, le_body, acc)
    acc = mid_body(gd, acc)
    row_ref[...] = jnp.sum(acc, axis=1, keepdims=True).astype(jnp.int32)

    @pl.when(g == _NP // _IB - 1)
    def _():
        col_ref[...] = colacc[...].astype(jnp.int32)


_rank_tc = pl.pallas_call(
    _rank_body,
    grid=(_NP // _IB,),
    in_specs=[
        pl.BlockSpec((_NP // _JC, _JC), lambda g: (0, 0)),
        pl.BlockSpec((_NP // _JC, _JC), lambda g: (0, 0)),
        pl.BlockSpec((_NP // _JC, _JC), lambda g: (0, 0)),
        pl.BlockSpec((_IB, 2), lambda g: (g, 0)),
        pl.BlockSpec((_IB, 1), lambda g: (g, 0)),
    ],
    out_specs=[
        pl.BlockSpec((_IB, 1), lambda g: (g, 0)),
        pl.BlockSpec((_NP // _JC, _JC), lambda g: (0, 0)),
    ],
    out_shape=[
        jax.ShapeDtypeStruct((_NP, 1), jnp.int32),
        jax.ShapeDtypeStruct((_NP // _JC, _JC), jnp.int32),
    ],
    scratch_shapes=[pltpu.VMEM((_NP // _JC, _JC), jnp.float32)],
)


def _permute_sc_body(x_hbm, rowf_hbm, colf_hbm, xs_hbm, idx_hbm,
                     rk_v, row_v, col_v, rows_v, vals_v,
                     trk_v, trow_v, tcol_v, trows_v, tvals_v):
    c = lax.axis_index("c")
    s = lax.axis_index("s")
    w = c * 16 + s

    def do_chunk(ci):
        pltpu.sync_copy(rowf_hbm.at[pl.ds(ci * 128, 128)], row_v)
        pltpu.sync_copy(colf_hbm.at[pl.ds(ci * 128, 128)], col_v)
        pltpu.sync_copy(x_hbm.at[pl.ds(ci * 128, 128), :], rows_v)
        for k in range(8):
            sl = pl.ds(k * 16, 16)
            idxs = (ci * 128 + k * 16
                    + lax.broadcasted_iota(jnp.int32, (16,), 0))
            vals_v[sl] = idxs
            rk_v[sl] = row_v[sl] + ((_NP - 1) - idxs) - col_v[sl]
        pltpu.sync_copy(rows_v, xs_hbm.at[rk_v])
        pltpu.sync_copy(vals_v, idx_hbm.at[rk_v])

    do_chunk(w)
    do_chunk(w + 32)

    @pl.when(w < 14)
    def _():
        do_chunk(w + 64)

    @pl.when(w == 14)
    def _():
        pltpu.sync_copy(rowf_hbm.at[pl.ds(9984, 16)], trow_v)
        pltpu.sync_copy(colf_hbm.at[pl.ds(9984, 16)], tcol_v)
        pltpu.sync_copy(x_hbm.at[pl.ds(9984, 16), :], trows_v)
        idxs = 9984 + lax.broadcasted_iota(jnp.int32, (16,), 0)
        tvals_v[...] = idxs
        trk_v[...] = trow_v[...] + ((_NP - 1) - idxs) - tcol_v[...]
        pltpu.sync_copy(trows_v, xs_hbm.at[trk_v])
        pltpu.sync_copy(tvals_v, idx_hbm.at[trk_v])


@functools.lru_cache(maxsize=1)
def _sc_kernels():
    mesh = plsc.VectorSubcoreMesh(core_axis_name="c", subcore_axis_name="s",
                                  num_cores=2, num_subcores=16)
    hist_sc = pl.kernel(
        _hist_sc_body,
        out_type=jax.ShapeDtypeStruct((2, _NP), jnp.float32),
        mesh=mesh,
        scratch_types=[
            pltpu.VMEM((80, 128), jnp.int32),
            pltpu.VMEM((128,), jnp.float32),
            pltpu.VMEM((640,), jnp.float32),
            pltpu.VMEM_SHARED((_NP,), jnp.float32),
        ],
    )
    permute_sc = pl.kernel(
        _permute_sc_body,
        out_type=(jax.ShapeDtypeStruct((_N, _D), jnp.float32),
                  jax.ShapeDtypeStruct((_N,), jnp.int32)),
        mesh=mesh,
        scratch_types=[
            pltpu.VMEM((128,), jnp.int32),
            pltpu.VMEM((128,), jnp.int32),
            pltpu.VMEM((128,), jnp.int32),
            pltpu.VMEM((128, _D), jnp.float32),
            pltpu.VMEM((128,), jnp.int32),
            pltpu.VMEM((16,), jnp.int32),
            pltpu.VMEM((16,), jnp.int32),
            pltpu.VMEM((16,), jnp.int32),
            pltpu.VMEM((16, _D), jnp.float32),
            pltpu.VMEM((16,), jnp.int32),
        ],
    )
    return hist_sc, permute_sc


def kernel(x, edge_index):
    hist_sc, permute_sc = _sc_kernels()
    x2 = x if x.ndim == 2 else x[0]
    src = edge_index[0].astype(jnp.int32)
    src_pad = jnp.concatenate(
        [src, jnp.full((_EP - _E,), _PAD_BIN, jnp.int32)]).reshape(32, 80, 128)

    noise = (jax.random.uniform(jax.random.key(1), (1, _N), dtype=jnp.float32)
             * 0.1)
    noise_pad = jnp.concatenate(
        [noise[0], jnp.full((_NP - _N,), jnp.inf, jnp.float32)])

    hist2 = hist_sc(src_pad)
    hist_a = hist2[0].reshape(_NP // _JC, _JC)
    hist_b = hist2[1].reshape(_NP // _JC, _JC)
    noise_r = noise_pad.reshape(_NP // _JC, _JC)
    histT = hist2.T
    noise_c = noise_pad.reshape(_NP, 1)

    rowc, colc = _rank_tc(hist_a, hist_b, noise_r, histT, noise_c)
    rowf = rowc.reshape(_NP)
    colf = colc.reshape(_NP)

    xs, sidx = permute_sc(x2, rowf, colf)
    return (xs[None], sidx[None])

# --- scband reference (transcript-rebuilt; emitter-appended) ---
"""Pipeline reference for scband-node-processor-31997506356067 (READ-ONLY COPY).

The authoritative reference and input builder live on the scoring server;
editing this copy changes nothing except your own understanding.
"""

import jax, jax.numpy as jnp
import numpy as np

N_NODES = 10000
N_EDGES = 320000
D_FEAT = 128


def setup_inputs(seed: int = 0) -> dict:
    key = jax.random.key(seed)
    kx, ke = jax.random.split(key)
    x = jax.random.normal(kx, (N_NODES, D_FEAT), dtype=jnp.float32)
    edge_index = jax.random.randint(ke, (2, N_EDGES), 0, N_NODES, dtype=jnp.int64 if jax.config.jax_enable_x64 else jnp.int32).astype(jnp.int32)
    return {"x": x, "edge_index": edge_index}


def reference(x, edge_index):
    # Faithful translation of NodeProcessor.forward (eval mode: Dropout is identity).
    if x.ndim == 2:
        x = x[None, :, :]
    batch, num_nodes, _ = x.shape
    src_nodes = edge_index[0]
    # scatter_add_ along dim 1: same indices broadcast over batch, duplicates accumulate
    node_degree = jnp.zeros((batch, num_nodes), dtype=x.dtype).at[:, src_nodes].add(1.0)
    # torch.rand_like(node_degree) * 0.1 -> deterministic uniform noise with fixed key;
    # nn.Dropout(0.1) is identity in eval mode
    noise = jax.random.uniform(jax.random.key(1), node_degree.shape, dtype=x.dtype) * 0.1
    sorted_idx = jnp.argsort(node_degree + noise, axis=-1)
    x_sorted = jnp.take_along_axis(x, sorted_idx[:, :, None], axis=1)
    return (x_sorted, sorted_idx)

if __name__ == "__main__":
    import jax
    _d = setup_inputs()
    print(jax.jit(kernel)(*tuple(_d.values())))

</pallas_src>

<mosaic_0001>
#map = affine_map<(d0, d1) -> (0, 0, 0)>
#map1 = affine_map<(d0, d1) -> (0, 0)>
module attributes {stable_mosaic.version = 14 : i64} {
  func.func @_hist_sc_body(%arg0: i32, %arg1: i32, %arg2: memref<32x80x128xi32, #tpu.memory_space<hbm>>, %arg3: memref<2x10240xf32, #tpu.memory_space<hbm>>, %arg4: memref<80x128xi32, #tpu.memory_space<vmem>>, %arg5: memref<128xf32, #tpu.memory_space<vmem>>, %arg6: memref<640xf32, #tpu.memory_space<vmem>>, %arg7: memref<10240xf32, #tpu.memory_space<vmem_shared>>) attributes {dimension_semantics = [#tpu.dimension_semantics<core_parallel>, #tpu.dimension_semantics<subcore_parallel>], iteration_bounds = array<i64: 2, 16>, scalar_prefetch = 0 : i64, scratch_operands = 4 : i64, tpu.core_type = #tpu.core_type<sc_vector_subcore>, window_params = [{transform_indices = #map}, {transform_indices = #map1}]} {
    %mul3A = arith.constant 16 : i32
    %mul3A_0 = arith.muli %arg0, %mul3A : i32
    %add3A = arith.addi %mul3A_0, %arg1 : i32
    %broadcast_in_dim3A = arith.constant 1.000000e+00 : f32
    %broadcast_in_dim3A_1 = vector.broadcast %broadcast_in_dim3A : f32 to vector<16xf32>
    %swap3A = arith.constant 0 : index
    %swap3A_2 = tpu.vector_load %arg5[%swap3A] {strides = array<i32>} : memref<128xf32, #tpu.memory_space<vmem>>, vector<16xf32>,
    %swap3A_3 = vector.shape_cast %swap3A_2 : vector<16xf32> to vector<16xf32>
    %swap3A_4 = vector.shape_cast %broadcast_in_dim3A_1 : vector<16xf32> to vector<16xf32>
    tpu.vector_store %arg5[%swap3A], %swap3A_4 {strides = array<i32>} : memref<128xf32, #tpu.memory_space<vmem>>, vector<16xf32>,
    %broadcast_in_dim3A_5 = arith.constant 1.000000e+00 : f32
    %broadcast_in_dim3A_6 = vector.broadcast %broadcast_in_dim3A_5 : f32 to vector<16xf32>
    %swap3A_7 = arith.constant 16 : index
    %swap3A_8 = tpu.vector_load %arg5[%swap3A_7] {strides = array<i32>} : memref<128xf32, #tpu.memory_space<vmem>>, vector<16xf32>,
    %swap3A_9 = vector.shape_cast %swap3A_8 : vector<16xf32> to vector<16xf32>
    %swap3A_10 = vector.shape_cast %broadcast_in_dim3A_6 : vector<16xf32> to vector<16xf32>
    tpu.vector_store %arg5[%swap3A_7], %swap3A_10 {strides = array<i32>} : memref<128xf32, #tpu.memory_space<vmem>>, vector<16xf32>,
    %broadcast_in_dim3A_11 = arith.constant 1.000000e+00 : f32
    %broadcast_in_dim3A_12 = vector.broadcast %broadcast_in_dim3A_11 : f32 to vector<16xf32>
    %swap3A_13 = arith.constant 32 : index
    %swap3A_14 = tpu.vector_load %arg5[%swap3A_13] {strides = array<i32>} : memref<128xf32, #tpu.memory_space<vmem>>, vector<16xf32>,
    %swap3A_15 = vector.shape_cast %swap3A_14 : vector<16xf32> to vector<16xf32>
    %swap3A_16 = vector.shape_cast %broadcast_in_dim3A_12 : vector<16xf32> to vector<16xf32>
    tpu.vector_store %arg5[%swap3A_13], %swap3A_16 {strides = array<i32>} : memref<128xf32, #tpu.memory_space<vmem>>, vector<16xf32>,
    %broadcast_in_dim3A_17 = arith.constant 1.000000e+00 : f32
    %broadcast_in_dim3A_18 = vector.broadcast %broadcast_in_dim3A_17 : f32 to vector<16xf32>
    %swap3A_19 = arith.constant 48 : index
    %swap3A_20 = tpu.vector_load %arg5[%swap3A_19] {strides = array<i32>} : memref<128xf32, #tpu.memory_space<vmem>>, vector<16xf32>,
    %swap3A_21 = vector.shape_cast %swap3A_20 : vector<16xf32> to vector<16xf32>
    %swap3A_22 = vector.shape_cast %broadcast_in_dim3A_18 : vector<16xf32> to vector<16xf32>
    tpu.vector_store %arg5[%swap3A_19], %swap3A_22 {strides = array<i32>} : memref<128xf32, #tpu.memory_space<vmem>>, vector<16xf32>,
    %broadcast_in_dim3A_23 = arith.constant 1.000000e+00 : f32
    %broadcast_in_dim3A_24 = vector.broadcast %broadcast_in_dim3A_23 : f32 to vector<16xf32>
    %swap3A_25 = arith.constant 64 : index
    %swap3A_26 = tpu.vector_load %arg5[%swap3A_25] {strides = array<i32>} : memref<128xf32, #tpu.memory_space<vmem>>, vector<16xf32>,
    %swap3A_27 = vector.shape_cast %swap3A_26 : vector<16xf32> to vector<16xf32>
    %swap3A_28 = vector.shape_cast %broadcast_in_dim3A_24 : vector<16xf32> to vector<16xf32>
    tpu.vector_store %arg5[%swap3A_25], %swap3A_28 {strides = array<i32>} : memref<128xf32, #tpu.memory_space<vmem>>, vector<16xf32>,
    %broadcast_in_dim3A_29 = arith.constant 1.000000e+00 : f32
    %broadcast_in_dim3A_30 = vector.broadcast %broadcast_in_dim3A_29 : f32 to vector<16xf32>
    %swap3A_31 = arith.constant 80 : index
    %swap3A_32 = tpu.vector_load %arg5[%swap3A_31] {strides = array<i32>} : memref<128xf32, #tpu.memory_space<vmem>>, vector<16xf32>,
    %swap3A_33 = vector.shape_cast %swap3A_32 : vector<16xf32> to vector<16xf32>
    %swap3A_34 = vector.shape_cast %broadcast_in_dim3A_30 : vector<16xf32> to vector<16xf32>
    tpu.vector_store %arg5[%swap3A_31], %swap3A_34 {strides = array<i32>} : memref<128xf32, #tpu.memory_space<vmem>>, vector<16xf32>,
    %broadcast_in_dim3A_35 = arith.constant 1.000000e+00 : f32
    %broadcast_in_dim3A_36 = vector.broadcast %broadcast_in_dim3A_35 : f32 to vector<16xf32>
    %swap3A_37 = arith.constant 96 : index
    %swap3A_38 = tpu.vector_load %arg5[%swap3A_37] {strides = array<i32>} : memref<128xf32, #tpu.memory_space<vmem>>, vector<16xf32>,
    %swap3A_39 = vector.shape_cast %swap3A_38 : vector<16xf32> to vector<16xf32>
    %swap3A_40 = vector.shape_cast %broadcast_in_dim3A_36 : vector<16xf32> to vector<16xf32>
    tpu.vector_store %arg5[%swap3A_37], %swap3A_40 {strides = array<i32>} : memref<128xf32, #tpu.memory_space<vmem>>, vector<16xf32>,
    %broadcast_in_dim3A_41 = arith.constant 1.000000e+00 : f32
    %broadcast_in_dim3A_42 = vector.broadcast %broadcast_in_dim3A_41 : f32 to vector<16xf32>
    %swap3A_43 = arith.constant 112 : index
    %swap3A_44 = tpu.vector_load %arg5[%swap3A_43] {strides = array<i32>} : memref<128xf32, #tpu.memory_space<vmem>>, vector<16xf32>,
    %swap3A_45 = vector.shape_cast %swap3A_44 : vector<16xf32> to vector<16xf32>
    %swap3A_46 = vector.shape_cast %broadcast_in_dim3A_42 : vector<16xf32> to vector<16xf32>
    tpu.vector_store %arg5[%swap3A_43], %swap3A_46 {strides = array<i32>} : memref<128xf32, #tpu.memory_space<vmem>>, vector<16xf32>,
    %broadcast_in_dim3A_47 = arith.constant 0.000000e+00 : f32
    %broadcast_in_dim3A_48 = vector.broadcast %broadcast_in_dim3A_47 : f32 to vector<16xf32>
    %swap3A_49 = arith.constant 0 : index
    %swap3A_50 = tpu.vector_load %arg6[%swap3A_49] {strides = array<i32>} : memref<640xf32, #tpu.memory_space<vmem>>, vector<16xf32>,
    %swap3A_51 = vector.shape_cast %swap3A_50 : vector<16xf32> to vector<16xf32>
    %swap3A_52 = vector.shape_cast %broadcast_in_dim3A_48 : vector<16xf32> to vector<16xf32>
    tpu.vector_store %arg6[%swap3A_49], %swap3A_52 {strides = array<i32>} : memref<640xf32, #tpu.memory_space<vmem>>, vector<16xf32>,
    %broadcast_in_dim3A_53 = arith.constant 0.000000e+00 : f32
    %broadcast_in_dim3A_54 = vector.broadcast %broadcast_in_dim3A_53 : f32 to vector<16xf32>
    %swap3A_55 = arith.constant 16 : index
    %swap3A_56 = tpu.vector_load %arg6[%swap3A_55] {strides = array<i32>} : memref<640xf32, #tpu.memory_space<vmem>>, vector<16xf32>,
    %swap3A_57 = vector.shape_cast %swap3A_56 : vector<16xf32> to vector<16xf32>
    %swap3A_58 = vector.shape_cast %broadcast_in_dim3A_54 : vector<16xf32> to vector<16xf32>
    tpu.vector_store %arg6[%swap3A_55], %swap3A_58 {strides = array<i32>} : memref<640xf32, #tpu.memory_space<vmem>>, vector<16xf32>,
    %broadcast_in_dim3A_59 = arith.constant 0.000000e+00 : f32
    %broadcast_in_dim3A_60 = vector.broadcast %broadcast_in_dim3A_59 : f32 to vector<16xf32>
    %swap3A_61 = arith.constant 32 : index
    %swap3A_62 = tpu.vector_load %arg6[%swap3A_61] {strides = array<i32>} : memref<640xf32, #tpu.memory_space<vmem>>, vector<16xf32>,
    %swap3A_63 = vector.shape_cast %swap3A_62 : vector<16xf32> to vector<16xf32>
    %swap3A_64 = vector.shape_cast %broadcast_in_dim3A_60 : vector<16xf32> to vector<16xf32>
    tpu.vector_store %arg6[%swap3A_61], %swap3A_64 {strides = array<i32>} : memref<640xf32, #tpu.memory_space<vmem>>, vector<16xf32>,
    %broadcast_in_dim3A_65 = arith.constant 0.000000e+00 : f32
    %broadcast_in_dim3A_66 = vector.broadcast %broadcast_in_dim3A_65 : f32 to vector<16xf32>
    %swap3A_67 = arith.constant 48 : index
    %swap3A_68 = tpu.vector_load %arg6[%swap3A_67] {strides = array<i32>} : memref<640xf32, #tpu.memory_space<vmem>>, vector<16xf32>,
    %swap3A_69 = vector.shape_cast %swap3A_68 : vector<16xf32> to vector<16xf32>
    %swap3A_70 = vector.shape_cast %broadcast_in_dim3A_66 : vector<16xf32> to vector<16xf32>
    tpu.vector_store %arg6[%swap3A_67], %swap3A_70 {strides = array<i32>} : memref<640xf32, #tpu.memory_space<vmem>>, vector<16xf32>,
    %broadcast_in_dim3A_71 = arith.constant 0.000000e+00 : f32
    %broadcast_in_dim3A_72 = vector.broadcast %broadcast_in_dim3A_71 : f32 to vector<16xf32>
    %swap3A_73 = arith.constant 64 : index
    %swap3A_74 = tpu.vector_load %arg6[%swap3A_73] {strides = array<i32>} : memref<640xf32, #tpu.memory_space<vmem>>, vector<16xf32>,
    %swap3A_75 = vector.shape_cast %swap3A_74 : vector<16xf32> to vector<16xf32>
    %swap3A_76 = vector.shape_cast %broadcast_in_dim3A_72 : vector<16xf32> to vector<16xf32>
    tpu.vector_store %arg6[%swap3A_73], %swap3A_76 {strides = array<i32>} : memref<640xf32, #tpu.memory_space<vmem>>, vector<16xf32>,
    %broadcast_in_dim3A_77 = arith.constant 0.000000e+00 : f32
    %broadcast_in_dim3A_78 = vector.broadcast %broadcast_in_dim3A_77 : f32 to vector<16xf32>
    %swap3A_79 = arith.constant 80 : index
    %swap3A_80 = tpu.vector_load %arg6[%swap3A_79] {strides = array<i32>} : memref<640xf32, #tpu.memory_space<vmem>>, vector<16xf32>,
    %swap3A_81 = vector.shape_cast %swap3A_80 : vector<16xf32> to vector<16xf32>
    %swap3A_82 = vector.shape_cast %broadcast_in_dim3A_78 : vector<16xf32> to vector<16xf32>
    tpu.vector_store %arg6[%swap3A_79], %swap3A_82 {strides = array<i32>} : memref<640xf32, #tpu.memory_space<vmem>>, vector<16xf32>,
    %broadcast_in_dim3A_83 = arith.constant 0.000000e+00 : f32
    %broadcast_in_dim3A_84 = vector.broadcast %broadcast_in_dim3A_83 : f32 to vector<16xf32>
    %swap3A_85 = arith.constant 96 : index
    %swap3A_86 = tpu.vector_load %arg6[%swap3A_85] {strides = array<i32>} : memref<640xf32, #tpu.memory_space<vmem>>, vector<16xf32>,
    %swap3A_87 = vector.shape_cast %swap3A_86 : vector<16xf32> to vector<16xf32>
    %swap3A_88 = vector.shape_cast %broadcast_in_dim3A_84 : vector<16xf32> to vector<16xf32>
    tpu.vector_store %arg6[%swap3A_85], %swap3A_88 {strides = array<i32>} : memref<640xf32, #tpu.memory_space<vmem>>, vector<16xf32>,
    %broadcast_in_dim3A_89 = arith.constant 0.000000e+00 : f32
    %broadcast_in_dim3A_90 = vector.broadcast %broadcast_in_dim3A_89 : f32 to vector<16xf32>
    %swap3A_91 = arith.constant 112 : index
    %swap3A_92 = tpu.vector_load %arg6[%swap3A_91] {strides = array<i32>} : memref<640xf32, #tpu.memory_space<vmem>>, vector<16xf32>,
    %swap3A_93 = vector.shape_cast %swap3A_92 : vector<16xf32> to vector<16xf32>
    %swap3A_94 = vector.shape_cast %broadcast_in_dim3A_90 : vector<16xf32> to vector<16xf32>
    tpu.vector_store %arg6[%swap3A_91], %swap3A_94 {strides = array<i32>} : memref<640xf32, #tpu.memory_space<vmem>>, vector<16xf32>,
    %broadcast_in_dim3A_95 = arith.constant 0.000000e+00 : f32
    %broadcast_in_dim3A_96 = vector.broadcast %broadcast_in_dim3A_95 : f32 to vector<16xf32>
    %swap3A_97 = arith.constant 128 : index
    %swap3A_98 = tpu.vector_load %arg6[%swap3A_97] {strides = array<i32>} : memref<640xf32, #tpu.memory_space<vmem>>, vector<16xf32>,
    %swap3A_99 = vector.shape_cast %swap3A_98 : vector<16xf32> to vector<16xf32>
    %swap3A_100 = vector.shape_cast %broadcast_in_dim3A_96 : vector<16xf32> to vector<16xf32>
    tpu.vector_store %arg6[%swap3A_97], %swap3A_100 {strides = array<i32>} : memref<640xf32, #tpu.memory_space<vmem>>, vector<16xf32>,
    %broadcast_in_dim3A_101 = arith.constant 0.000000e+00 : f32
    %broadcast_in_dim3A_102 = vector.broadcast %broadcast_in_dim3A_101 : f32 to vector<16xf32>
    %swap3A_103 = arith.constant 144 : index
    %swap3A_104 = tpu.vector_load %arg6[%swap3A_103] {strides = array<i32>} : memref<640xf32, #tpu.memory_space<vmem>>, vector<16xf32>,
    %swap3A_105 = vector.shape_cast %swap3A_104 : vector<16xf32> to vector<16xf32>
    %swap3A_106 = vector.shape_cast %broadcast_in_dim3A_102 : vector<16xf32> to vector<16xf32>
    tpu.vector_store %arg6[%swap3A_103], %swap3A_106 {strides = array<i32>} : memref<640xf32, #tpu.memory_space<vmem>>, vector<16xf32>,
    %broadcast_in_dim3A_107 = arith.constant 0.000000e+00 : f32
    %broadcast_in_dim3A_108 = vector.broadcast %broadcast_in_dim3A_107 : f32 to vector<16xf32>
    %swap3A_109 = arith.constant 160 : index
    %swap3A_110 = tpu.vector_load %arg6[%swap3A_109] {strides = array<i32>} : memref<640xf32, #tpu.memory_space<vmem>>, vector<16xf32>,
    %swap3A_111 = vector.shape_cast %swap3A_110 : vector<16xf32> to vector<16xf32>
    %swap3A_112 = vector.shape_cast %broadcast_in_dim3A_108 : vector<16xf32> to vector<16xf32>
    tpu.vector_store %arg6[%swap3A_109], %swap3A_112 {strides = array<i32>} : memref<640xf32, #tpu.memory_space<vmem>>, vector<16xf32>,
    %broadcast_in_dim3A_113 = arith.constant 0.000000e+00 : f32
    %broadcast_in_dim3A_114 = vector.broadcast %broadcast_in_dim3A_113 : f32 to vector<16xf32>
    %swap3A_115 = arith.constant 176 : index
    %swap3A_116 = tpu.vector_load %arg6[%swap3A_115] {strides = array<i32>} : memref<640xf32, #tpu.memory_space<vmem>>, vector<16xf32>,
    %swap3A_117 = vector.shape_cast %swap3A_116 : vector<16xf32> to vector<16xf32>
    %swap3A_118 = vector.shape_cast %broadcast_in_dim3A_114 : vector<16xf32> to vector<16xf32>
    tpu.vector_store %arg6[%swap3A_115], %swap3A_118 {strides = array<i32>} : memref<640xf32, #tpu.memory_space<vmem>>, vector<16xf32>,
    %broadcast_in_dim3A_119 = arith.constant 0.000000e+00 : f32
    %broadcast_in_dim3A_120 = vector.broadcast %broadcast_in_dim3A_119 : f32 to vector<16xf32>
    %swap3A_121 = arith.constant 192 : index
    %swap3A_122 = tpu.vector_load %arg6[%swap3A_121] {strides = array<i32>} : memref<640xf32, #tpu.memory_space<vmem>>, vector<16xf32>,
    %swap3A_123 = vector.shape_cast %swap3A_122 : vector<16xf32> to vector<16xf32>
    %swap3A_124 = vector.shape_cast %broadcast_in_dim3A_120 : vector<16xf32> to vector<16xf32>
    tpu.vector_store %arg6[%swap3A_121], %swap3A_124 {strides = array<i32>} : memref<640xf32, #tpu.memory_space<vmem>>, vector<16xf32>,
    %broadcast_in_dim3A_125 = arith.constant 0.000000e+00 : f32
    %broadcast_in_dim3A_126 = vector.broadcast %broadcast_in_dim3A_125 : f32 to vector<16xf32>
    %swap3A_127 = arith.constant 208 : index
    %swap3A_128 = tpu.vector_load %arg6[%swap3A_127] {strides = array<i32>} : memref<640xf32, #tpu.memory_space<vmem>>, vector<16xf32>,
    %swap3A_129 = vector.shape_cast %swap3A_128 : vector<16xf32> to vector<16xf32>
    %swap3A_130 = vector.shape_cast %broadcast_in_dim3A_126 : vector<16xf32> to vector<16xf32>
    tpu.vector_store %arg6[%swap3A_127], %swap3A_130 {strides = array<i32>} : memref<640xf32, #tpu.memory_space<vmem>>, vector<16xf32>,
    %broadcast_in_dim3A_131 = arith.constant 0.000000e+00 : f32
    %broadcast_in_dim3A_132 = vector.broadcast %broadcast_in_dim3A_131 : f32 to vector<16xf32>
    %swap3A_133 = arith.constant 224 : index
    %swap3A_134 = tpu.vector_load %arg6[%swap3A_133] {strides = array<i32>} : memref<640xf32, #tpu.memory_space<vmem>>, vector<16xf32>,
    %swap3A_135 = vector.shape_cast %swap3A_134 : vector<16xf32> to vector<16xf32>
    %swap3A_136 = vector.shape_cast %broadcast_in_dim3A_132 : vector<16xf32> to vector<16xf32>
    tpu.vector_store %arg6[%swap3A_133], %swap3A_136 {strides = array<i32>} : memref<640xf32, #tpu.memory_space<vmem>>, vector<16xf32>,
    %broadcast_in_dim3A_137 = arith.constant 0.000000e+00 : f32
    %broadcast_in_dim3A_138 = vector.broadcast %broadcast_in_dim3A_137 : f32 to vector<16xf32>
    %swap3A_139 = arith.constant 240 : index
    %swap3A_140 = tpu.vector_load %arg6[%swap3A_139] {strides = array<i32>} : memref<640xf32, #tpu.memory_space<vmem>>, vector<16xf32>,
    %swap3A_141 = vector.shape_cast %swap3A_140 : vector<16xf32> to vector<16xf32>
    %swap3A_142 = vector.shape_cast %broadcast_in_dim3A_138 : vector<16xf32> to vector<16xf32>
    tpu.vector_store %arg6[%swap3A_139], %swap3A_142 {strides = array<i32>} : memref<640xf32, #tpu.memory_space<vmem>>, vector<16xf32>,
    %broadcast_in_dim3A_143 = arith.constant 0.000000e+00 : f32
    %broadcast_in_dim3A_144 = vector.broadcast %broadcast_in_dim3A_143 : f32 to vector<16xf32>
    %swap3A_145 = arith.constant 256 : index
    %swap3A_146 = tpu.vector_load %arg6[%swap3A_145] {strides = array<i32>} : memref<640xf32, #tpu.memory_space<vmem>>, vector<16xf32>,
    %swap3A_147 = vector.shape_cast %swap3A_146 : vector<16xf32> to vector<16xf32>
    %swap3A_148 = vector.shape_cast %broadcast_in_dim3A_144 : vector<16xf32> to vector<16xf32>
    tpu.vector_store %arg6[%swap3A_145], %swap3A_148 {strides = array<i32>} : memref<640xf32, #tpu.memory_space<vmem>>, vector<16xf32>,
    %broadcast_in_dim3A_149 = arith.constant 0.000000e+00 : f32
    %broadcast_in_dim3A_150 = vector.broadcast %broadcast_in_dim3A_149 : f32 to vector<16xf32>
    %swap3A_151 = arith.constant 272 : index
    %swap3A_152 = tpu.vector_load %arg6[%swap3A_151] {strides = array<i32>} : memref<640xf32, #tpu.memory_space<vmem>>, vector<16xf32>,
    %swap3A_153 = vector.shape_cast %swap3A_152 : vector<16xf32> to vector<16xf32>
    %swap3A_154 = vector.shape_cast %broadcast_in_dim3A_150 : vector<16xf32> to vector<16xf32>
    tpu.vector_store %arg6[%swap3A_151], %swap3A_154 {strides = array<i32>} : memref<640xf32, #tpu.memory_space<vmem>>, vector<16xf32>,
    %broadcast_in_dim3A_155 = arith.constant 0.000000e+00 : f32
    %broadcast_in_dim3A_156 = vector.broadcast %broadcast_in_dim3A_155 : f32 to vector<16xf32>
    %swap3A_157 = arith.constant 288 : index
    %swap3A_158 = tpu.vector_load %arg6[%swap3A_157] {strides = array<i32>} : memref<640xf32, #tpu.memory_space<vmem>>, vector<16xf32>,
    %swap3A_159 = vector.shape_cast %swap3A_158 : vector<16xf32> to vector<16xf32>
    %swap3A_160 = vector.shape_cast %broadcast_in_dim3A_156 : vector<16xf32> to vector<16xf32>
    tpu.vector_store %arg6[%swap3A_157], %swap3A_160 {strides = array<i32>} : memref<640xf32, #tpu.memory_space<vmem>>, vector<16xf32>,
    %broadcast_in_dim3A_161 = arith.constant 0.000000e+00 : f32
    %broadcast_in_dim3A_162 = vector.broadcast %broadcast_in_dim3A_161 : f32 to vector<16xf32>
    %swap3A_163 = arith.constant 304 : index
    %swap3A_164 = tpu.vector_load %arg6[%swap3A_163] {strides = array<i32>} : memref<640xf32, #tpu.memory_space<vmem>>, vector<16xf32>,
    %swap3A_165 = vector.shape_cast %swap3A_164 : vector<16xf32> to vector<16xf32>
    %swap3A_166 = vector.shape_cast %broadcast_in_dim3A_162 : vector<16xf32> to vector<16xf32>
    tpu.vector_store %arg6[%swap3A_163], %swap3A_166 {strides = array<i32>} : memref<640xf32, #tpu.memory_space<vmem>>, vector<16xf32>,
    %broadcast_in_dim3A_167 = arith.constant 0.000000e+00 : f32
    %broadcast_in_dim3A_168 = vector.broadcast %broadcast_in_dim3A_167 : f32 to vector<16xf32>
    %swap3A_169 = arith.constant 320 : index
    %swap3A_170 = tpu.vector_load %arg6[%swap3A_169] {strides = array<i32>} : memref<640xf32, #tpu.memory_space<vmem>>, vector<16xf32>,
    %swap3A_171 = vector.shape_cast %swap3A_170 : vector<16xf32> to vector<16xf32>
    %swap3A_172 = vector.shape_cast %broadcast_in_dim3A_168 : vector<16xf32> to vector<16xf32>
    tpu.vector_store %arg6[%swap3A_169], %swap3A_172 {strides = array<i32>} : memref<640xf32, #tpu.memory_space<vmem>>, vector<16xf32>,
    %broadcast_in_dim3A_173 = arith.constant 0.000000e+00 : f32
    %broadcast_in_dim3A_174 = vector.broadcast %broadcast_in_dim3A_173 : f32 to vector<16xf32>
    %swap3A_175 = arith.constant 336 : index
    %swap3A_176 = tpu.vector_load %arg6[%swap3A_175] {strides = array<i32>} : memref<640xf32, #tpu.memory_space<vmem>>, vector<16xf32>,
    %swap3A_177 = vector.shape_cast %swap3A_176 : vector<16xf32> to vector<16xf32>
    %swap3A_178 = vector.shape_cast %broadcast_in_dim3A_174 : vector<16xf32> to vector<16xf32>
    tpu.vector_store %arg6[%swap3A_175], %swap3A_178 {strides = array<i32>} : memref<640xf32, #tpu.memory_space<vmem>>, vector<16xf32>,
    %broadcast_in_dim3A_179 = arith.constant 0.000000e+00 : f32
    %broadcast_in_dim3A_180 = vector.broadcast %broadcast_in_dim3A_179 : f32 to vector<16xf32>
    %swap3A_181 = arith.constant 352 : index
    %swap3A_182 = tpu.vector_load %arg6[%swap3A_181] {strides = array<i32>} : memref<640xf32, #tpu.memory_space<vmem>>, vector<16xf32>,
    %swap3A_183 = vector.shape_cast %swap3A_182 : vector<16xf32> to vector<16xf32>
    %swap3A_184 = vector.shape_cast %broadcast_in_dim3A_180 : vector<16xf32> to vector<16xf32>
    tpu.vector_store %arg6[%swap3A_181], %swap3A_184 {strides = array<i32>} : memref<640xf32, #tpu.memory_space<vmem>>, vector<16xf32>,
    %broadcast_in_dim3A_185 = arith.constant 0.000000e+00 : f32
    %broadcast_in_dim3A_186 = vector.broadcast %broadcast_in_dim3A_185 : f32 to vector<16xf32>
    %swap3A_187 = arith.constant 368 : index
    %swap3A_188 = tpu.vector_load %arg6[%swap3A_187] {strides = array<i32>} : memref<640xf32, #tpu.memory_space<vmem>>, vector<16xf32>,
    %swap3A_189 = vector.shape_cast %swap3A_188 : vector<16xf32> to vector<16xf32>
    %swap3A_190 = vector.shape_cast %broadcast_in_dim3A_186 : vector<16xf32> to vector<16xf32>
    tpu.vector_store %arg6[%swap3A_187], %swap3A_190 {strides = array<i32>} : memref<640xf32, #tpu.memory_space<vmem>>, vector<16xf32>,
    %broadcast_in_dim3A_191 = arith.constant 0.000000e+00 : f32
    %broadcast_in_dim3A_192 = vector.broadcast %broadcast_in_dim3A_191 : f32 to vector<16xf32>
    %swap3A_193 = arith.constant 384 : index
    %swap3A_194 = tpu.vector_load %arg6[%swap3A_193] {strides = array<i32>} : memref<640xf32, #tpu.memory_space<vmem>>, vector<16xf32>,
    %swap3A_195 = vector.shape_cast %swap3A_194 : vector<16xf32> to vector<16xf32>
    %swap3A_196 = vector.shape_cast %broadcast_in_dim3A_192 : vector<16xf32> to vector<16xf32>
    tpu.vector_store %arg6[%swap3A_193], %swap3A_196 {strides = array<i32>} : memref<640xf32, #tpu.memory_space<vmem>>, vector<16xf32>,
    %broadcast_in_dim3A_197 = arith.constant 0.000000e+00 : f32
    %broadcast_in_dim3A_198 = vector.broadcast %broadcast_in_dim3A_197 : f32 to vector<16xf32>
    %swap3A_199 = arith.constant 400 : index
    %swap3A_200 = tpu.vector_load %arg6[%swap3A_199] {strides = array<i32>} : memref<640xf32, #tpu.memory_space<vmem>>, vector<16xf32>,
    %swap3A_201 = vector.shape_cast %swap3A_200 : vector<16xf32> to vector<16xf32>
    %swap3A_202 = vector.shape_cast %broadcast_in_dim3A_198 : vector<16xf32> to vector<16xf32>
    tpu.vector_store %arg6[%swap3A_199], %swap3A_202 {strides = array<i32>} : memref<640xf32, #tpu.memory_space<vmem>>, vector<16xf32>,
    %broadcast_in_dim3A_203 = arith.constant 0.000000e+00 : f32
    %broadcast_in_dim3A_204 = vector.broadcast %broadcast_in_dim3A_203 : f32 to vector<16xf32>
    %swap3A_205 = arith.constant 416 : index
    %swap3A_206 = tpu.vector_load %arg6[%swap3A_205] {strides = array<i32>} : memref<640xf32, #tpu.memory_space<vmem>>, vector<16xf32>,
    %swap3A_207 = vector.shape_cast %swap3A_206 : vector<16xf32> to vector<16xf32>
    %swap3A_208 = vector.shape_cast %broadcast_in_dim3A_204 : vector<16xf32> to vector<16xf32>
    tpu.vector_store %arg6[%swap3A_205], %swap3A_208 {strides = array<i32>} : memref<640xf32, #tpu.memory_space<vmem>>, vector<16xf32>,
    %broadcast_in_dim3A_209 = arith.constant 0.000000e+00 : f32
    %broadcast_in_dim3A_210 = vector.broadcast %broadcast_in_dim3A_209 : f32 to vector<16xf32>
    %swap3A_211 = arith.constant 432 : index
    %swap3A_212 = tpu.vector_load %arg6[%swap3A_211] {strides = array<i32>} : memref<640xf32, #tpu.memory_space<vmem>>, vector<16xf32>,
    %swap3A_213 = vector.shape_cast %swap3A_212 : vector<16xf32> to vector<16xf32>
    %swap3A_214 = vector.shape_cast %broadcast_in_dim3A_210 : vector<16xf32> to vector<16xf32>
    tpu.vector_store %arg6[%swap3A_211], %swap3A_214 {strides = array<i32>} : memref<640xf32, #tpu.memory_space<vmem>>, vector<16xf32>,
    %broadcast_in_dim3A_215 = arith.constant 0.000000e+00 : f32
    %broadcast_in_dim3A_216 = vector.broadcast %broadcast_in_dim3A_215 : f32 to vector<16xf32>
    %swap3A_217 = arith.constant 448 : index
    %swap3A_218 = tpu.vector_load %arg6[%swap3A_217] {strides = array<i32>} : memref<640xf32, #tpu.memory_space<vmem>>, vector<16xf32>,
    %swap3A_219 = vector.shape_cast %swap3A_218 : vector<16xf32> to vector<16xf32>
    %swap3A_220 = vector.shape_cast %broadcast_in_dim3A_216 : vector<16xf32> to vector<16xf32>
    tpu.vector_store %arg6[%swap3A_217], %swap3A_220 {strides = array<i32>} : memref<640xf32, #tpu.memory_space<vmem>>, vector<16xf32>,
    %broadcast_in_dim3A_221 = arith.constant 0.000000e+00 : f32
    %broadcast_in_dim3A_222 = vector.broadcast %broadcast_in_dim3A_221 : f32 to vector<16xf32>
    %swap3A_223 = arith.constant 464 : index
    %swap3A_224 = tpu.vector_load %arg6[%swap3A_223] {strides = array<i32>} : memref<640xf32, #tpu.memory_space<vmem>>, vector<16xf32>,
    %swap3A_225 = vector.shape_cast %swap3A_224 : vector<16xf32> to vector<16xf32>
    %swap3A_226 = vector.shape_cast %broadcast_in_dim3A_222 : vector<16xf32> to vector<16xf32>
    tpu.vector_store %arg6[%swap3A_223], %swap3A_226 {strides = array<i32>} : memref<640xf32, #tpu.memory_space<vmem>>, vector<16xf32>,
    %broadcast_in_dim3A_227 = arith.constant 0.000000e+00 : f32
    %broadcast_in_dim3A_228 = vector.broadcast %broadcast_in_dim3A_227 : f32 to vector<16xf32>
    %swap3A_229 = arith.constant 480 : index
    %swap3A_230 = tpu.vector_load %arg6[%swap3A_229] {strides = array<i32>} : memref<640xf32, #tpu.memory_space<vmem>>, vector<16xf32>,
    %swap3A_231 = vector.shape_cast %swap3A_230 : vector<16xf32> to vector<16xf32>
    %swap3A_232 = vector.shape_cast %broadcast_in_dim3A_228 : vector<16xf32> to vector<16xf32>
    tpu.vector_store %arg6[%swap3A_229], %swap3A_232 {strides = array<i32>} : memref<640xf32, #tpu.memory_space<vmem>>, vector<16xf32>,
    %broadcast_in_dim3A_233 = arith.constant 0.000000e+00 : f32
    %broadcast_in_dim3A_234 = vector.broadcast %broadcast_in_dim3A_233 : f32 to vector<16xf32>
    %swap3A_235 = arith.constant 496 : index
    %swap3A_236 = tpu.vector_load %arg6[%swap3A_235] {strides = array<i32>} : memref<640xf32, #tpu.memory_space<vmem>>, vector<16xf32>,
    %swap3A_237 = vector.shape_cast %swap3A_236 : vector<16xf32> to vector<16xf32>
    %swap3A_238 = vector.shape_cast %broadcast_in_dim3A_234 : vector<16xf32> to vector<16xf32>
    tpu.vector_store %arg6[%swap3A_235], %swap3A_238 {strides = array<i32>} : memref<640xf32, #tpu.memory_space<vmem>>, vector<16xf32>,
    %broadcast_in_dim3A_239 = arith.constant 0.000000e+00 : f32
    %broadcast_in_dim3A_240 = vector.broadcast %broadcast_in_dim3A_239 : f32 to vector<16xf32>
    %swap3A_241 = arith.constant 512 : index
    %swap3A_242 = tpu.vector_load %arg6[%swap3A_241] {strides = array<i32>} : memref<640xf32, #tpu.memory_space<vmem>>, vector<16xf32>,
    %swap3A_243 = vector.shape_cast %swap3A_242 : vector<16xf32> to vector<16xf32>
    %swap3A_244 = vector.shape_cast %broadcast_in_dim3A_240 : vector<16xf32> to vector<16xf32>
    tpu.vector_store %arg6[%swap3A_241], %swap3A_244 {strides = array<i32>} : memref<640xf32, #tpu.memory_space<vmem>>, vector<16xf32>,
    %broadcast_in_dim3A_245 = arith.constant 0.000000e+00 : f32
    %broadcast_in_dim3A_246 = vector.broadcast %broadcast_in_dim3A_245 : f32 to vector<16xf32>
    %swap3A_247 = arith.constant 528 : index
    %swap3A_248 = tpu.vector_load %arg6[%swap3A_247] {strides = array<i32>} : memref<640xf32, #tpu.memory_space<vmem>>, vector<16xf32>,
    %swap3A_249 = vector.shape_cast %swap3A_248 : vector<16xf32> to vector<16xf32>
    %swap3A_250 = vector.shape_cast %broadcast_in_dim3A_246 : vector<16xf32> to vector<16xf32>
    tpu.vector_store %arg6[%swap3A_247], %swap3A_250 {strides = array<i32>} : memref<640xf32, #tpu.memory_space<vmem>>, vector<16xf32>,
    %broadcast_in_dim3A_251 = arith.constant 0.000000e+00 : f32
    %broadcast_in_dim3A_252 = vector.broadcast %broadcast_in_dim3A_251 : f32 to vector<16xf32>
    %swap3A_253 = arith.constant 544 : index
    %swap3A_254 = tpu.vector_load %arg6[%swap3A_253] {strides = array<i32>} : memref<640xf32, #tpu.memory_space<vmem>>, vector<16xf32>,
    %swap3A_255 = vector.shape_cast %swap3A_254 : vector<16xf32> to vector<16xf32>
    %swap3A_256 = vector.shape_cast %broadcast_in_dim3A_252 : vector<16xf32> to vector<16xf32>
    tpu.vector_store %arg6[%swap3A_253], %swap3A_256 {strides = array<i32>} : memref<640xf32, #tpu.memory_space<vmem>>, vector<16xf32>,
    %broadcast_in_dim3A_257 = arith.constant 0.000000e+00 : f32
    %broadcast_in_dim3A_258 = vector.broadcast %broadcast_in_dim3A_257 : f32 to vector<16xf32>
    %swap3A_259 = arith.constant 560 : index
    %swap3A_260 = tpu.vector_load %arg6[%swap3A_259] {strides = array<i32>} : memref<640xf32, #tpu.memory_space<vmem>>, vector<16xf32>,
    %swap3A_261 = vector.shape_cast %swap3A_260 : vector<16xf32> to vector<16xf32>
    %swap3A_262 = vector.shape_cast %broadcast_in_dim3A_258 : vector<16xf32> to vector<16xf32>
    tpu.vector_store %arg6[%swap3A_259], %swap3A_262 {strides = array<i32>} : memref<640xf32, #tpu.memory_space<vmem>>, vector<16xf32>,
    %broadcast_in_dim3A_263 = arith.constant 0.000000e+00 : f32
    %broadcast_in_dim3A_264 = vector.broadcast %broadcast_in_dim3A_263 : f32 to vector<16xf32>
    %swap3A_265 = arith.constant 576 : index
    %swap3A_266 = tpu.vector_load %arg6[%swap3A_265] {strides = array<i32>} : memref<640xf32, #tpu.memory_space<vmem>>, vector<16xf32>,
    %swap3A_267 = vector.shape_cast %swap3A_266 : vector<16xf32> to vector<16xf32>
    %swap3A_268 = vector.shape_cast %broadcast_in_dim3A_264 : vector<16xf32> to vector<16xf32>
    tpu.vector_store %arg6[%swap3A_265], %swap3A_268 {strides = array<i32>} : memref<640xf32, #tpu.memory_space<vmem>>, vector<16xf32>,
    %broadcast_in_dim3A_269 = arith.constant 0.000000e+00 : f32
    %broadcast_in_dim3A_270 = vector.broadcast %broadcast_in_dim3A_269 : f32 to vector<16xf32>
    %swap3A_271 = arith.constant 592 : index
    %swap3A_272 = tpu.vector_load %arg6[%swap3A_271] {strides = array<i32>} : memref<640xf32, #tpu.memory_space<vmem>>, vector<16xf32>,
    %swap3A_273 = vector.shape_cast %swap3A_272 : vector<16xf32> to vector<16xf32>
    %swap3A_274 = vector.shape_cast %broadcast_in_dim3A_270 : vector<16xf32> to vector<16xf32>
    tpu.vector_store %arg6[%swap3A_271], %swap3A_274 {strides = array<i32>} : memref<640xf32, #tpu.memory_space<vmem>>, vector<16xf32>,
    %broadcast_in_dim3A_275 = arith.constant 0.000000e+00 : f32
    %broadcast_in_dim3A_276 = vector.broadcast %broadcast_in_dim3A_275 : f32 to vector<16xf32>
    %swap3A_277 = arith.constant 608 : index
    %swap3A_278 = tpu.vector_load %arg6[%swap3A_277] {strides = array<i32>} : memref<640xf32, #tpu.memory_space<vmem>>, vector<16xf32>,
    %swap3A_279 = vector.shape_cast %swap3A_278 : vector<16xf32> to vector<16xf32>
    %swap3A_280 = vector.shape_cast %broadcast_in_dim3A_276 : vector<16xf32> to vector<16xf32>
    tpu.vector_store %arg6[%swap3A_277], %swap3A_280 {strides = array<i32>} : memref<640xf32, #tpu.memory_space<vmem>>, vector<16xf32>,
    %broadcast_in_dim3A_281 = arith.constant 0.000000e+00 : f32
    %broadcast_in_dim3A_282 = vector.broadcast %broadcast_in_dim3A_281 : f32 to vector<16xf32>
    %swap3A_283 = arith.constant 624 : index
    %swap3A_284 = tpu.vector_load %arg6[%swap3A_283] {strides = array<i32>} : memref<640xf32, #tpu.memory_space<vmem>>, vector<16xf32>,
    %swap3A_285 = vector.shape_cast %swap3A_284 : vector<16xf32> to vector<16xf32>
    %swap3A_286 = vector.shape_cast %broadcast_in_dim3A_282 : vector<16xf32> to vector<16xf32>
    tpu.vector_store %arg6[%swap3A_283], %swap3A_286 {strides = array<i32>} : memref<640xf32, #tpu.memory_space<vmem>>, vector<16xf32>,
    %mul3A_287 = arith.constant 640 : i32
    %mul3A_288 = arith.muli %arg1, %mul3A_287 : i32
    "tpu.region"() ({
      %run_scoped3A = tpu.sem_alloc : memref<!tpu.dma_semaphore, #tpu.memory_space<semaphore_mem>>
      %dma_start3A = tpu.memref_slice %arg7[%mul3A_288] : memref<10240xf32, #tpu.memory_space<vmem_shared>> -> memref<640xf32, #tpu.memory_space<vmem_shared>>
      %dma_start3A_299 = tpu.memref_slice %arg7[%mul3A_288] : memref<10240xf32, #tpu.memory_space<vmem_shared>> -> memref<640xf32, #tpu.memory_space<vmem_shared>>
      tpu.enqueue_dma source(%arg6 : memref<640xf32, #tpu.memory_space<vmem>>) target(%dma_start3A_299 : memref<640xf32, #tpu.memory_space<vmem_shared>>) target_semaphore(%run_scoped3A : memref<!tpu.dma_semaphore, #tpu.memory_space<semaphore_mem>>)
      %dma_wait3A = tpu.memref_slice %arg7[%mul3A_288] : memref<10240xf32, #tpu.memory_space<vmem_shared>> -> memref<640xf32, #tpu.memory_space<vmem_shared>>
      %dma_wait3A_300 = tpu.memref_slice %arg7[%mul3A_288] : memref<10240xf32, #tpu.memory_space<vmem_shared>> -> memref<640xf32, #tpu.memory_space<vmem_shared>>
      tpu.wait_dma2 semaphore(%run_scoped3A : memref<!tpu.dma_semaphore, #tpu.memory_space<semaphore_mem>>) src(%arg6 : memref<640xf32, #tpu.memory_space<vmem>>) dst(%dma_wait3A_300 : memref<640xf32, #tpu.memory_space<vmem_shared>>)
      tpu.yield
    }) : () -> ()
    "tpu.region"() ({
      %run_scoped3A = tpu.sem_alloc : memref<!tpu.dma_semaphore, #tpu.memory_space<semaphore_mem>>
      %dma_start3A = arith.constant 0 : i32
      %dma_start3A_299 = arith.constant 0 : i32
      %dma_start3A_300 = tpu.memref_slice %arg2[%add3A, %dma_start3A, %dma_start3A_299] : memref<32x80x128xi32, #tpu.memory_space<hbm>> -> memref<1x80x128xi32, #tpu.memory_space<hbm>>
      %dma_start3A_301 = tpu.memref_squeeze %dma_start3A_300 : memref<1x80x128xi32, #tpu.memory_space<hbm>> -> memref<80x128xi32, #tpu.memory_space<hbm>>
      %dma_start3A_302 = arith.constant 0 : i32
      %dma_start3A_303 = arith.constant 0 : i32
      %dma_start3A_304 = tpu.memref_slice %arg2[%add3A, %dma_start3A_302, %dma_start3A_303] : memref<32x80x128xi32, #tpu.memory_space<hbm>> -> memref<1x80x128xi32, #tpu.memory_space<hbm>>
      %dma_start3A_305 = tpu.memref_squeeze %dma_start3A_304 : memref<1x80x128xi32, #tpu.memory_space<hbm>> -> memref<80x128xi32, #tpu.memory_space<hbm>>
      tpu.enqueue_dma source(%dma_start3A_305 : memref<80x128xi32, #tpu.memory_space<hbm>>) target(%arg4 : memref<80x128xi32, #tpu.memory_space<vmem>>) target_semaphore(%run_scoped3A : memref<!tpu.dma_semaphore, #tpu.memory_space<semaphore_mem>>)
      %dma_wait3A = arith.constant 0 : i32
      %dma_wait3A_306 = arith.constant 0 : i32
      %dma_wait3A_307 = tpu.memref_slice %arg2[%add3A, %dma_wait3A, %dma_wait3A_306] : memref<32x80x128xi32, #tpu.memory_space<hbm>> -> memref<1x80x128xi32, #tpu.memory_space<hbm>>
      %dma_wait3A_308 = tpu.memref_squeeze %dma_wait3A_307 : memref<1x80x128xi32, #tpu.memory_space<hbm>> -> memref<80x128xi32, #tpu.memory_space<hbm>>
      %dma_wait3A_309 = arith.constant 0 : i32
      %dma_wait3A_310 = arith.constant 0 : i32
      %dma_wait3A_311 = tpu.memref_slice %arg2[%add3A, %dma_wait3A_309, %dma_wait3A_310] : memref<32x80x128xi32, #tpu.memory_space<hbm>> -> memref<1x80x128xi32, #tpu.memory_space<hbm>>
      %dma_wait3A_312 = tpu.memref_squeeze %dma_wait3A_311 : memref<1x80x128xi32, #tpu.memory_space<hbm>> -> memref<80x128xi32, #tpu.memory_space<hbm>>
      tpu.wait_dma2 semaphore(%run_scoped3A : memref<!tpu.dma_semaphore, #tpu.memory_space<semaphore_mem>>) src(%dma_wait3A_312 : memref<80x128xi32, #tpu.memory_space<hbm>>) dst(%arg4 : memref<80x128xi32, #tpu.memory_space<vmem>>)
      tpu.yield
    }) : () -> ()
    %barrier3A = arith.constant 0 : index
    tpu.barrier barrier_id(%barrier3A)
    %scan3A = arith.constant 0 : i32
    %scan3A_289 = arith.constant 0 : i32
    %scan3A_290 = arith.constant 80 : i32
    %scan3A_291 = arith.addi %scan3A_289, %scan3A_290 : i32
    %scan3A_292 = arith.constant 1 : i32
    scf.for %scan3A_299 = %scan3A_289 to %scan3A_291 step %scan3A_292  : i32 {
      "tpu.region"() ({
        %run_scoped3A = tpu.sem_alloc : memref<!tpu.dma_semaphore, #tpu.memory_space<semaphore_mem>>
        %dma_start3A = arith.constant 0 : i32
        %dma_start3A_300 = tpu.memref_slice %arg4[%scan3A_299, %dma_start3A] : memref<80x128xi32, #tpu.memory_space<vmem>> -> memref<1x128xi32, #tpu.memory_space<vmem>>
        %dma_start3A_301 = tpu.memref_squeeze %dma_start3A_300 : memref<1x128xi32, #tpu.memory_space<vmem>> -> memref<128xi32, #tpu.memory_space<vmem>>
        %dma_start3A_302 = arith.constant 0 : i32
        %dma_start3A_303 = tpu.memref_slice %arg7[%dma_start3A_302] : memref<10240xf32, #tpu.memory_space<vmem_shared>> -> memref<10240xf32, #tpu.memory_space<vmem_shared>>
        tpu.enqueue_indirect_dma source(%arg5 : memref<128xf32, #tpu.memory_space<vmem>>) target(%dma_start3A_303 : memref<10240xf32, #tpu.memory_space<vmem_shared>>) offsets(%dma_start3A_301 : memref<128xi32, #tpu.memory_space<vmem>>) semaphore(%run_scoped3A : memref<!tpu.dma_semaphore, #tpu.memory_space<semaphore_mem>>) {add = true}
        %dma_wait3A = arith.constant 0 : i32
        %dma_wait3A_304 = tpu.memref_slice %arg4[%scan3A_299, %dma_wait3A] : memref<80x128xi32, #tpu.memory_space<vmem>> -> memref<1x128xi32, #tpu.memory_space<vmem>>
        %dma_wait3A_305 = tpu.memref_squeeze %dma_wait3A_304 : memref<1x128xi32, #tpu.memory_space<vmem>> -> memref<128xi32, #tpu.memory_space<vmem>>
        %dma_wait3A_306 = arith.constant 0 : i32
        %dma_wait3A_307 = tpu.memref_slice %arg7[%dma_wait3A_306] : memref<10240xf32, #tpu.memory_space<vmem_shared>> -> memref<10240xf32, #tpu.memory_space<vmem_shared>>
        tpu.wait_indirect_dma semaphore(%run_scoped3A : memref<!tpu.dma_semaphore, #tpu.memory_space<semaphore_mem>>) src(%arg5 : memref<128xf32, #tpu.memory_space<vmem>>) dst(%dma_wait3A_307 : memref<10240xf32, #tpu.memory_space<vmem_shared>>)
        tpu.yield
      }) : () -> ()
    }
    %scan3A_293 = arith.constant 80 : i32
    %barrier3A_294 = arith.constant 0 : index
    tpu.barrier barrier_id(%barrier3A_294)
    %mul3A_295 = arith.constant 640 : i32
    %mul3A_296 = arith.muli %arg1, %mul3A_295 : i32
    %mul3A_297 = arith.constant 640 : i32
    %mul3A_298 = arith.muli %arg1, %mul3A_297 : i32
    "tpu.region"() ({
      %run_scoped3A = tpu.sem_alloc : memref<!tpu.dma_semaphore, #tpu.memory_space<semaphore_mem>>
      %dma_start3A = tpu.memref_slice %arg3[%arg0, %mul3A_298] : memref<2x10240xf32, #tpu.memory_space<hbm>> -> memref<1x640xf32, #tpu.memory_space<hbm>>
      %dma_start3A_299 = tpu.memref_squeeze %dma_start3A : memref<1x640xf32, #tpu.memory_space<hbm>> -> memref<640xf32, #tpu.memory_space<hbm>>
      %dma_start3A_300 = tpu.memref_slice %arg7[%mul3A_296] : memref<10240xf32, #tpu.memory_space<vmem_shared>> -> memref<640xf32, #tpu.memory_space<vmem_shared>>
      tpu.enqueue_dma source(%dma_start3A_300 : memref<640xf32, #tpu.memory_space<vmem_shared>>) target(%dma_start3A_299 : memref<640xf32, #tpu.memory_space<hbm>>) target_semaphore(%run_scoped3A : memref<!tpu.dma_semaphore, #tpu.memory_space<semaphore_mem>>)
      %dma_wait3A = tpu.memref_slice %arg3[%arg0, %mul3A_298] : memref<2x10240xf32, #tpu.memory_space<hbm>> -> memref<1x640xf32, #tpu.memory_space<hbm>>
      %dma_wait3A_301 = tpu.memref_squeeze %dma_wait3A : memref<1x640xf32, #tpu.memory_space<hbm>> -> memref<640xf32, #tpu.memory_space<hbm>>
      %dma_wait3A_302 = tpu.memref_slice %arg7[%mul3A_296] : memref<10240xf32, #tpu.memory_space<vmem_shared>> -> memref<640xf32, #tpu.memory_space<vmem_shared>>
      tpu.wait_dma2 semaphore(%run_scoped3A : memref<!tpu.dma_semaphore, #tpu.memory_space<semaphore_mem>>) src(%dma_wait3A_302 : memref<640xf32, #tpu.memory_space<vmem_shared>>) dst(%dma_wait3A_301 : memref<640xf32, #tpu.memory_space<hbm>>)
      tpu.yield
    }) : () -> ()
    return
  }
}

#map = affine_map<(d0, d1) -> (0, 0)>
#map1 = affine_map<(d0, d1) -> (0)>
module attributes {stable_mosaic.version = 14 : i64} {
  func.func @_permute_sc_body(%arg0: i32, %arg1: i32, %arg2: memref<10000x128xf32, #tpu.memory_space<hbm>>, %arg3: memref<10240xi32, #tpu.memory_space<hbm>>, %arg4: memref<10240xi32, #tpu.memory_space<hbm>>, %arg5: memref<10000x128xf32, #tpu.memory_space<hbm>>, %arg6: memref<10000xi32, #tpu.memory_space<hbm>>, %arg7: memref<128xi32, #tpu.memory_space<vmem>>, %arg8: memref<128xi32, #tpu.memory_space<vmem>>, %arg9: memref<128xi32, #tpu.memory_space<vmem>>, %arg10: memref<128x128xf32, #tpu.memory_space<vmem>>, %arg11: memref<128xi32, #tpu.memory_space<vmem>>, %arg12: memref<16xi32, #tpu.memory_space<vmem>>, %arg13: memref<16xi32, #tpu.memory_space<vmem>>, %arg14: memref<16xi32, #tpu.memory_space<vmem>>, %arg15: memref<16x128xf32, #tpu.memory_space<vmem>>, %arg16: memref<16xi32, #tpu.memory_space<vmem>>) attributes {dimension_semantics = [#tpu.dimension_semantics<core_parallel>, #tpu.dimension_semantics<subcore_parallel>], iteration_bounds = array<i64: 2, 16>, scalar_prefetch = 0 : i64, scratch_operands = 10 : i64, tpu.core_type = #tpu.core_type<sc_vector_subcore>, window_params = [{transform_indices = #map}, {transform_indices = #map1}, {transform_indices = #map1}, {transform_indices = #map}, {transform_indices = #map1}]} {
    %mul3A = arith.constant 16 : i32
    %mul3A_0 = arith.muli %arg0, %mul3A : i32
    %add3A = arith.addi %mul3A_0, %arg1 : i32
    %mul3A_1 = arith.constant 128 : i32
    %mul3A_2 = arith.muli %add3A, %mul3A_1 : i32
    "tpu.region"() ({
      %run_scoped3A = tpu.sem_alloc : memref<!tpu.dma_semaphore, #tpu.memory_space<semaphore_mem>>
      %dma_start3A = tpu.memref_slice %arg3[%mul3A_2] : memref<10240xi32, #tpu.memory_space<hbm>> -> memref<128xi32, #tpu.memory_space<hbm>>
      %dma_start3A_433 = tpu.memref_slice %arg3[%mul3A_2] : memref<10240xi32, #tpu.memory_space<hbm>> -> memref<128xi32, #tpu.memory_space<hbm>>
      tpu.enqueue_dma source(%dma_start3A_433 : memref<128xi32, #tpu.memory_space<hbm>>) target(%arg8 : memref<128xi32, #tpu.memory_space<vmem>>) target_semaphore(%run_scoped3A : memref<!tpu.dma_semaphore, #tpu.memory_space<semaphore_mem>>)
      %dma_wait3A = tpu.memref_slice %arg3[%mul3A_2] : memref<10240xi32, #tpu.memory_space<hbm>> -> memref<128xi32, #tpu.memory_space<hbm>>
      %dma_wait3A_434 = tpu.memref_slice %arg3[%mul3A_2] : memref<10240xi32, #tpu.memory_space<hbm>> -> memref<128xi32, #tpu.memory_space<hbm>>
      tpu.wait_dma2 semaphore(%run_scoped3A : memref<!tpu.dma_semaphore, #tpu.memory_space<semaphore_mem>>) src(%dma_wait3A_434 : memref<128xi32, #tpu.memory_space<hbm>>) dst(%arg8 : memref<128xi32, #tpu.memory_space<vmem>>)
      tpu.yield
    }) : () -> ()
    %mul3A_3 = arith.constant 128 : i32
    %mul3A_4 = arith.muli %add3A, %mul3A_3 : i32
    "tpu.region"() ({
      %run_scoped3A = tpu.sem_alloc : memref<!tpu.dma_semaphore, #tpu.memory_space<semaphore_mem>>
      %dma_start3A = tpu.memref_slice %arg4[%mul3A_4] : memref<10240xi32, #tpu.memory_space<hbm>> -> memref<128xi32, #tpu.memory_space<hbm>>
      %dma_start3A_433 = tpu.memref_slice %arg4[%mul3A_4] : memref<10240xi32, #tpu.memory_space<hbm>> -> memref<128xi32, #tpu.memory_space<hbm>>
      tpu.enqueue_dma source(%dma_start3A_433 : memref<128xi32, #tpu.memory_space<hbm>>) target(%arg9 : memref<128xi32, #tpu.memory_space<vmem>>) target_semaphore(%run_scoped3A : memref<!tpu.dma_semaphore, #tpu.memory_space<semaphore_mem>>)
      %dma_wait3A = tpu.memref_slice %arg4[%mul3A_4] : memref<10240xi32, #tpu.memory_space<hbm>> -> memref<128xi32, #tpu.memory_space<hbm>>
      %dma_wait3A_434 = tpu.memref_slice %arg4[%mul3A_4] : memref<10240xi32, #tpu.memory_space<hbm>> -> memref<128xi32, #tpu.memory_space<hbm>>
      tpu.wait_dma2 semaphore(%run_scoped3A : memref<!tpu.dma_semaphore, #tpu.memory_space<semaphore_mem>>) src(%dma_wait3A_434 : memref<128xi32, #tpu.memory_space<hbm>>) dst(%arg9 : memref<128xi32, #tpu.memory_space<vmem>>)
      tpu.yield
    }) : () -> ()
    %mul3A_5 = arith.constant 128 : i32
    %mul3A_6 = arith.muli %add3A, %mul3A_5 : i32
    "tpu.region"() ({
      %run_scoped3A = tpu.sem_alloc : memref<!tpu.dma_semaphore, #tpu.memory_space<semaphore_mem>>
      %dma_start3A = arith.constant 0 : i32
      %dma_start3A_433 = tpu.memref_slice %arg2[%mul3A_6, %dma_start3A] : memref<10000x128xf32, #tpu.memory_space<hbm>> -> memref<128x128xf32, #tpu.memory_space<hbm>>
      %dma_start3A_434 = arith.constant 0 : i32
      %dma_start3A_435 = tpu.memref_slice %arg2[%mul3A_6, %dma_start3A_434] : memref<10000x128xf32, #tpu.memory_space<hbm>> -> memref<128x128xf32, #tpu.memory_space<hbm>>
      tpu.enqueue_dma source(%dma_start3A_435 : memref<128x128xf32, #tpu.memory_space<hbm>>) target(%arg10 : memref<128x128xf32, #tpu.memory_space<vmem>>) target_semaphore(%run_scoped3A : memref<!tpu.dma_semaphore, #tpu.memory_space<semaphore_mem>>)
      %dma_wait3A = arith.constant 0 : i32
      %dma_wait3A_436 = tpu.memref_slice %arg2[%mul3A_6, %dma_wait3A] : memref<10000x128xf32, #tpu.memory_space<hbm>> -> memref<128x128xf32, #tpu.memory_space<hbm>>
      %dma_wait3A_437 = arith.constant 0 : i32
      %dma_wait3A_438 = tpu.memref_slice %arg2[%mul3A_6, %dma_wait3A_437] : memref<10000x128xf32, #tpu.memory_space<hbm>> -> memref<128x128xf32, #tpu.memory_space<hbm>>
      tpu.wait_dma2 semaphore(%run_scoped3A : memref<!tpu.dma_semaphore, #tpu.memory_space<semaphore_mem>>) src(%dma_wait3A_438 : memref<128x128xf32, #tpu.memory_space<hbm>>) dst(%arg10 : memref<128x128xf32, #tpu.memory_space<vmem>>)
      tpu.yield
    }) : () -> ()
    %mul3A_7 = arith.constant 128 : i32
    %mul3A_8 = arith.muli %add3A, %mul3A_7 : i32
    %add3A_9 = arith.constant 0 : i32
    %add3A_10 = arith.addi %mul3A_8, %add3A_9 : i32
    %iota3A = tpu.iota {dimensions = array<i32: 0>} : vector<16xi32>
    %add3A_11 = vector.broadcast %add3A_10 : i32 to vector<16xi32>
    %add3A_12 = arith.addi %add3A_11, %iota3A : vector<16xi32>
    %swap3A = arith.constant 0 : index
    %swap3A_13 = tpu.vector_load %arg11[%swap3A] {strides = array<i32>} : memref<128xi32, #tpu.memory_space<vmem>>, vector<16xi32>,
    %swap3A_14 = vector.shape_cast %swap3A_13 : vector<16xi32> to vector<16xi32>
    %swap3A_15 = vector.shape_cast %add3A_12 : vector<16xi32> to vector<16xi32>
    tpu.vector_store %arg11[%swap3A], %swap3A_15 {strides = array<i32>} : memref<128xi32, #tpu.memory_space<vmem>>, vector<16xi32>,
    %get3A = arith.constant 0 : index
    %get3A_16 = tpu.vector_load %arg8[%get3A] {strides = array<i32>} : memref<128xi32, #tpu.memory_space<vmem>>, vector<16xi32>,
    %get3A_17 = vector.shape_cast %get3A_16 : vector<16xi32> to vector<16xi32>
    %sub3A = arith.constant 10239 : i32
    %sub3A_18 = vector.broadcast %sub3A : i32 to vector<16xi32>
    %sub3A_19 = arith.subi %sub3A_18, %add3A_12 : vector<16xi32>
    %add3A_20 = arith.addi %get3A_17, %sub3A_19 : vector<16xi32>
    %get3A_21 = arith.constant 0 : index
    %get3A_22 = tpu.vector_load %arg9[%get3A_21] {strides = array<i32>} : memref<128xi32, #tpu.memory_space<vmem>>, vector<16xi32>,
    %get3A_23 = vector.shape_cast %get3A_22 : vector<16xi32> to vector<16xi32>
    %sub3A_24 = arith.subi %add3A_20, %get3A_23 : vector<16xi32>
    %swap3A_25 = arith.constant 0 : index
    %swap3A_26 = tpu.vector_load %arg7[%swap3A_25] {strides = array<i32>} : memref<128xi32, #tpu.memory_space<vmem>>, vector<16xi32>,
    %swap3A_27 = vector.shape_cast %swap3A_26 : vector<16xi32> to vector<16xi32>
    %swap3A_28 = vector.shape_cast %sub3A_24 : vector<16xi32> to vector<16xi32>
    tpu.vector_store %arg7[%swap3A_25], %swap3A_28 {strides = array<i32>} : memref<128xi32, #tpu.memory_space<vmem>>, vector<16xi32>,
    %mul3A_29 = arith.constant 128 : i32
    %mul3A_30 = arith.muli %add3A, %mul3A_29 : i32
    %add3A_31 = arith.constant 16 : i32
    %add3A_32 = arith.addi %mul3A_30, %add3A_31 : i32
    %iota3A_33 = tpu.iota {dimensions = array<i32: 0>} : vector<16xi32>
    %add3A_34 = vector.broadcast %add3A_32 : i32 to vector<16xi32>
    %add3A_35 = arith.addi %add3A_34, %iota3A_33 : vector<16xi32>
    %swap3A_36 = arith.constant 16 : index
    %swap3A_37 = tpu.vector_load %arg11[%swap3A_36] {strides = array<i32>} : memref<128xi32, #tpu.memory_space<vmem>>, vector<16xi32>,
    %swap3A_38 = vector.shape_cast %swap3A_37 : vector<16xi32> to vector<16xi32>
    %swap3A_39 = vector.shape_cast %add3A_35 : vector<16xi32> to vector<16xi32>
    tpu.vector_store %arg11[%swap3A_36], %swap3A_39 {strides = array<i32>} : memref<128xi32, #tpu.memory_space<vmem>>, vector<16xi32>,
    %get3A_40 = arith.constant 16 : index
    %get3A_41 = tpu.vector_load %arg8[%get3A_40] {strides = array<i32>} : memref<128xi32, #tpu.memory_space<vmem>>, vector<16xi32>,
    %get3A_42 = vector.shape_cast %get3A_41 : vector<16xi32> to vector<16xi32>
    %sub3A_43 = arith.constant 10239 : i32
    %sub3A_44 = vector.broadcast %sub3A_43 : i32 to vector<16xi32>
    %sub3A_45 = arith.subi %sub3A_44, %add3A_35 : vector<16xi32>
    %add3A_46 = arith.addi %get3A_42, %sub3A_45 : vector<16xi32>
    %get3A_47 = arith.constant 16 : index
    %get3A_48 = tpu.vector_load %arg9[%get3A_47] {strides = array<i32>} : memref<128xi32, #tpu.memory_space<vmem>>, vector<16xi32>,
    %get3A_49 = vector.shape_cast %get3A_48 : vector<16xi32> to vector<16xi32>
    %sub3A_50 = arith.subi %add3A_46, %get3A_49 : vector<16xi32>
    %swap3A_51 = arith.constant 16 : index
    %swap3A_52 = tpu.vector_load %arg7[%swap3A_51] {strides = array<i32>} : memref<128xi32, #tpu.memory_space<vmem>>, vector<16xi32>,
    %swap3A_53 = vector.shape_cast %swap3A_52 : vector<16xi32> to vector<16xi32>
    %swap3A_54 = vector.shape_cast %sub3A_50 : vector<16xi32> to vector<16xi32>
    tpu.vector_store %arg7[%swap3A_51], %swap3A_54 {strides = array<i32>} : memref<128xi32, #tpu.memory_space<vmem>>, vector<16xi32>,
    %mul3A_55 = arith.constant 128 : i32
    %mul3A_56 = arith.muli %add3A, %mul3A_55 : i32
    %add3A_57 = arith.constant 32 : i32
    %add3A_58 = arith.addi %mul3A_56, %add3A_57 : i32
    %iota3A_59 = tpu.iota {dimensions = array<i32: 0>} : vector<16xi32>
    %add3A_60 = vector.broadcast %add3A_58 : i32 to vector<16xi32>
    %add3A_61 = arith.addi %add3A_60, %iota3A_59 : vector<16xi32>
    %swap3A_62 = arith.constant 32 : index
    %swap3A_63 = tpu.vector_load %arg11[%swap3A_62] {strides = array<i32>} : memref<128xi32, #tpu.memory_space<vmem>>, vector<16xi32>,
    %swap3A_64 = vector.shape_cast %swap3A_63 : vector<16xi32> to vector<16xi32>
    %swap3A_65 = vector.shape_cast %add3A_61 : vector<16xi32> to vector<16xi32>
    tpu.vector_store %arg11[%swap3A_62], %swap3A_65 {strides = array<i32>} : memref<128xi32, #tpu.memory_space<vmem>>, vector<16xi32>,
    %get3A_66 = arith.constant 32 : index
    %get3A_67 = tpu.vector_load %arg8[%get3A_66] {strides = array<i32>} : memref<128xi32, #tpu.memory_space<vmem>>, vector<16xi32>,
    %get3A_68 = vector.shape_cast %get3A_67 : vector<16xi32> to vector<16xi32>
    %sub3A_69 = arith.constant 10239 : i32
    %sub3A_70 = vector.broadcast %sub3A_69 : i32 to vector<16xi32>
    %sub3A_71 = arith.subi %sub3A_70, %add3A_61 : vector<16xi32>
    %add3A_72 = arith.addi %get3A_68, %sub3A_71 : vector<16xi32>
    %get3A_73 = arith.constant 32 : index
    %get3A_74 = tpu.vector_load %arg9[%get3A_73] {strides = array<i32>} : memref<128xi32, #tpu.memory_space<vmem>>, vector<16xi32>,
    %get3A_75 = vector.shape_cast %get3A_74 : vector<16xi32> to vector<16xi32>
    %sub3A_76 = arith.subi %add3A_72, %get3A_75 : vector<16xi32>
    %swap3A_77 = arith.constant 32 : index
    %swap3A_78 = tpu.vector_load %arg7[%swap3A_77] {strides = array<i32>} : memref<128xi32, #tpu.memory_space<vmem>>, vector<16xi32>,
    %swap3A_79 = vector.shape_cast %swap3A_78 : vector<16xi32> to vector<16xi32>
    %swap3A_80 = vector.shape_cast %sub3A_76 : vector<16xi32> to vector<16xi32>
    tpu.vector_store %arg7[%swap3A_77], %swap3A_80 {strides = array<i32>} : memref<128xi32, #tpu.memory_space<vmem>>, vector<16xi32>,
    %mul3A_81 = arith.constant 128 : i32
    %mul3A_82 = arith.muli %add3A, %mul3A_81 : i32
    %add3A_83 = arith.constant 48 : i32
    %add3A_84 = arith.addi %mul3A_82, %add3A_83 : i32
    %iota3A_85 = tpu.iota {dimensions = array<i32: 0>} : vector<16xi32>
    %add3A_86 = vector.broadcast %add3A_84 : i32 to vector<16xi32>
    %add3A_87 = arith.addi %add3A_86, %iota3A_85 : vector<16xi32>
    %swap3A_88 = arith.constant 48 : index
    %swap3A_89 = tpu.vector_load %arg11[%swap3A_88] {strides = array<i32>} : memref<128xi32, #tpu.memory_space<vmem>>, vector<16xi32>,
    %swap3A_90 = vector.shape_cast %swap3A_89 : vector<16xi32> to vector<16xi32>
    %swap3A_91 = vector.shape_cast %add3A_87 : vector<16xi32> to vector<16xi32>
    tpu.vector_store %arg11[%swap3A_88], %swap3A_91 {strides = array<i32>} : memref<128xi32, #tpu.memory_space<vmem>>, vector<16xi32>,
    %get3A_92 = arith.constant 48 : index
    %get3A_93 = tpu.vector_load %arg8[%get3A_92] {strides = array<i32>} : memref<128xi32, #tpu.memory_space<vmem>>, vector<16xi32>,
    %get3A_94 = vector.shape_cast %get3A_93 : vector<16xi32> to vector<16xi32>
    %sub3A_95 = arith.constant 10239 : i32
    %sub3A_96 = vector.broadcast %sub3A_95 : i32 to vector<16xi32>
    %sub3A_97 = arith.subi %sub3A_96, %add3A_87 : vector<16xi32>
    %add3A_98 = arith.addi %get3A_94, %sub3A_97 : vector<16xi32>
    %get3A_99 = arith.constant 48 : index
    %get3A_100 = tpu.vector_load %arg9[%get3A_99] {strides = array<i32>} : memref<128xi32, #tpu.memory_space<vmem>>, vector<16xi32>,
    %get3A_101 = vector.shape_cast %get3A_100 : vector<16xi32> to vector<16xi32>
    %sub3A_102 = arith.subi %add3A_98, %get3A_101 : vector<16xi32>
    %swap3A_103 = arith.constant 48 : index
    %swap3A_104 = tpu.vector_load %arg7[%swap3A_103] {strides = array<i32>} : memref<128xi32, #tpu.memory_space<vmem>>, vector<16xi32>,
    %swap3A_105 = vector.shape_cast %swap3A_104 : vector<16xi32> to vector<16xi32>
    %swap3A_106 = vector.shape_cast %sub3A_102 : vector<16xi32> to vector<16xi32>
    tpu.vector_store %arg7[%swap3A_103], %swap3A_106 {strides = array<i32>} : memref<128xi32, #tpu.memory_space<vmem>>, vector<16xi32>,
    %mul3A_107 = arith.constant 128 : i32
    %mul3A_108 = arith.muli %add3A, %mul3A_107 : i32
    %add3A_109 = arith.constant 64 : i32
    %add3A_110 = arith.addi %mul3A_108, %add3A_109 : i32
    %iota3A_111 = tpu.iota {dimensions = array<i32: 0>} : vector<16xi32>
    %add3A_112 = vector.broadcast %add3A_110 : i32 to vector<16xi32>
    %add3A_113 = arith.addi %add3A_112, %iota3A_111 : vector<16xi32>
    %swap3A_114 = arith.constant 64 : index
    %swap3A_115 = tpu.vector_load %arg11[%swap3A_114] {strides = array<i32>} : memref<128xi32, #tpu.memory_space<vmem>>, vector<16xi32>,
    %swap3A_116 = vector.shape_cast %swap3A_115 : vector<16xi32> to vector<16xi32>
    %swap3A_117 = vector.shape_cast %add3A_113 : vector<16xi32> to vector<16xi32>
    tpu.vector_store %arg11[%swap3A_114], %swap3A_117 {strides = array<i32>} : memref<128xi32, #tpu.memory_space<vmem>>, vector<16xi32>,
    %get3A_118 = arith.constant 64 : index
    %get3A_119 = tpu.vector_load %arg8[%get3A_118] {strides = array<i32>} : memref<128xi32, #tpu.memory_space<vmem>>, vector<16xi32>,
    %get3A_120 = vector.shape_cast %get3A_119 : vector<16xi32> to vector<16xi32>
    %sub3A_121 = arith.constant 10239 : i32
    %sub3A_122 = vector.broadcast %sub3A_121 : i32 to vector<16xi32>
    %sub3A_123 = arith.subi %sub3A_122, %add3A_113 : vector<16xi32>
    %add3A_124 = arith.addi %get3A_120, %sub3A_123 : vector<16xi32>
    %get3A_125 = arith.constant 64 : index
    %get3A_126 = tpu.vector_load %arg9[%get3A_125] {strides = array<i32>} : memref<128xi32, #tpu.memory_space<vmem>>, vector<16xi32>,
    %get3A_127 = vector.shape_cast %get3A_126 : vector<16xi32> to vector<16xi32>
    %sub3A_128 = arith.subi %add3A_124, %get3A_127 : vector<16xi32>
    %swap3A_129 = arith.constant 64 : index
    %swap3A_130 = tpu.vector_load %arg7[%swap3A_129] {strides = array<i32>} : memref<128xi32, #tpu.memory_space<vmem>>, vector<16xi32>,
    %swap3A_131 = vector.shape_cast %swap3A_130 : vector<16xi32> to vector<16xi32>
    %swap3A_132 = vector.shape_cast %sub3A_128 : vector<16xi32> to vector<16xi32>
    tpu.vector_store %arg7[%swap3A_129], %swap3A_132 {strides = array<i32>} : memref<128xi32, #tpu.memory_space<vmem>>, vector<16xi32>,
    %mul3A_133 = arith.constant 128 : i32
    %mul3A_134 = arith.muli %add3A, %mul3A_133 : i32
    %add3A_135 = arith.constant 80 : i32
    %add3A_136 = arith.addi %mul3A_134, %add3A_135 : i32
    %iota3A_137 = tpu.iota {dimensions = array<i32: 0>} : vector<16xi32>
    %add3A_138 = vector.broadcast %add3A_136 : i32 to vector<16xi32>
    %add3A_139 = arith.addi %add3A_138, %iota3A_137 : vector<16xi32>
    %swap3A_140 = arith.constant 80 : index
    %swap3A_141 = tpu.vector_load %arg11[%swap3A_140] {strides = array<i32>} : memref<128xi32, #tpu.memory_space<vmem>>, vector<16xi32>,
    %swap3A_142 = vector.shape_cast %swap3A_141 : vector<16xi32> to vector<16xi32>
    %swap3A_143 = vector.shape_cast %add3A_139 : vector<16xi32> to vector<16xi32>
    tpu.vector_store %arg11[%swap3A_140], %swap3A_143 {strides = array<i32>} : memref<128xi32, #tpu.memory_space<vmem>>, vector<16xi32>,
    %get3A_144 = arith.constant 80 : index
    %get3A_145 = tpu.vector_load %arg8[%get3A_144] {strides = array<i32>} : memref<128xi32, #tpu.memory_space<vmem>>, vector<16xi32>,
    %get3A_146 = vector.shape_cast %get3A_145 : vector<16xi32> to vector<16xi32>
    %sub3A_147 = arith.constant 10239 : i32
    %sub3A_148 = vector.broadcast %sub3A_147 : i32 to vector<16xi32>
    %sub3A_149 = arith.subi %sub3A_148, %add3A_139 : vector<16xi32>
    %add3A_150 = arith.addi %get3A_146, %sub3A_149 : vector<16xi32>
    %get3A_151 = arith.constant 80 : index
    %get3A_152 = tpu.vector_load %arg9[%get3A_151] {strides = array<i32>} : memref<128xi32, #tpu.memory_space<vmem>>, vector<16xi32>,
    %get3A_153 = vector.shape_cast %get3A_152 : vector<16xi32> to vector<16xi32>
    %sub3A_154 = arith.subi %add3A_150, %get3A_153 : vector<16xi32>
    %swap3A_155 = arith.constant 80 : index
    %swap3A_156 = tpu.vector_load %arg7[%swap3A_155] {strides = array<i32>} : memref<128xi32, #tpu.memory_space<vmem>>, vector<16xi32>,
    %swap3A_157 = vector.shape_cast %swap3A_156 : vector<16xi32> to vector<16xi32>
    %swap3A_158 = vector.shape_cast %sub3A_154 : vector<16xi32> to vector<16xi32>
    tpu.vector_store %arg7[%swap3A_155], %swap3A_158 {strides = array<i32>} : memref<128xi32, #tpu.memory_space<vmem>>, vector<16xi32>,
    %mul3A_159 = arith.constant 128 : i32
    %mul3A_160 = arith.muli %add3A, %mul3A_159 : i32
    %add3A_161 = arith.constant 96 : i32
    %add3A_162 = arith.addi %mul3A_160, %add3A_161 : i32
    %iota3A_163 = tpu.iota {dimensions = array<i32: 0>} : vector<16xi32>
    %add3A_164 = vector.broadcast %add3A_162 : i32 to vector<16xi32>
    %add3A_165 = arith.addi %add3A_164, %iota3A_163 : vector<16xi32>
    %swap3A_166 = arith.constant 96 : index
    %swap3A_167 = tpu.vector_load %arg11[%swap3A_166] {strides = array<i32>} : memref<128xi32, #tpu.memory_space<vmem>>, vector<16xi32>,
    %swap3A_168 = vector.shape_cast %swap3A_167 : vector<16xi32> to vector<16xi32>
    %swap3A_169 = vector.shape_cast %add3A_165 : vector<16xi32> to vector<16xi32>
    tpu.vector_store %arg11[%swap3A_166], %swap3A_169 {strides = array<i32>} : memref<128xi32, #tpu.memory_space<vmem>>, vector<16xi32>,
    %get3A_170 = arith.constant 96 : index
    %get3A_171 = tpu.vector_load %arg8[%get3A_170] {strides = array<i32>} : memref<128xi32, #tpu.memory_space<vmem>>, vector<16xi32>,
    %get3A_172 = vector.shape_cast %get3A_171 : vector<16xi32> to vector<16xi32>
    %sub3A_173 = arith.constant 10239 : i32
    %sub3A_174 = vector.broadcast %sub3A_173 : i32 to vector<16xi32>
    %sub3A_175 = arith.subi %sub3A_174, %add3A_165 : vector<16xi32>
    %add3A_176 = arith.addi %get3A_172, %sub3A_175 : vector<16xi32>
    %get3A_177 = arith.constant 96 : index
    %get3A_178 = tpu.vector_load %arg9[%get3A_177] {strides = array<i32>} : memref<128xi32, #tpu.memory_space<vmem>>, vector<16xi32>,
    %get3A_179 = vector.shape_cast %get3A_178 : vector<16xi32> to vector<16xi32>
    %sub3A_180 = arith.subi %add3A_176, %get3A_179 : vector<16xi32>
    %swap3A_181 = arith.constant 96 : index
    %swap3A_182 = tpu.vector_load %arg7[%swap3A_181] {strides = array<i32>} : memref<128xi32, #tpu.memory_space<vmem>>, vector<16xi32>,
    %swap3A_183 = vector.shape_cast %swap3A_182 : vector<16xi32> to vector<16xi32>
    %swap3A_184 = vector.shape_cast %sub3A_180 : vector<16xi32> to vector<16xi32>
    tpu.vector_store %arg7[%swap3A_181], %swap3A_184 {strides = array<i32>} : memref<128xi32, #tpu.memory_space<vmem>>, vector<16xi32>,
    %mul3A_185 = arith.constant 128 : i32
    %mul3A_186 = arith.muli %add3A, %mul3A_185 : i32
    %add3A_187 = arith.constant 112 : i32
    %add3A_188 = arith.addi %mul3A_186, %add3A_187 : i32
    %iota3A_189 = tpu.iota {dimensions = array<i32: 0>} : vector<16xi32>
    %add3A_190 = vector.broadcast %add3A_188 : i32 to vector<16xi32>
    %add3A_191 = arith.addi %add3A_190, %iota3A_189 : vector<16xi32>
    %swap3A_192 = arith.constant 112 : index
    %swap3A_193 = tpu.vector_load %arg11[%swap3A_192] {strides = array<i32>} : memref<128xi32, #tpu.memory_space<vmem>>, vector<16xi32>,
    %swap3A_194 = vector.shape_cast %swap3A_193 : vector<16xi32> to vector<16xi32>
    %swap3A_195 = vector.shape_cast %add3A_191 : vector<16xi32> to vector<16xi32>
    tpu.vector_store %arg11[%swap3A_192], %swap3A_195 {strides = array<i32>} : memref<128xi32, #tpu.memory_space<vmem>>, vector<16xi32>,
    %get3A_196 = arith.constant 112 : index
    %get3A_197 = tpu.vector_load %arg8[%get3A_196] {strides = array<i32>} : memref<128xi32, #tpu.memory_space<vmem>>, vector<16xi32>,
    %get3A_198 = vector.shape_cast %get3A_197 : vector<16xi32> to vector<16xi32>
    %sub3A_199 = arith.constant 10239 : i32
    %sub3A_200 = vector.broadcast %sub3A_199 : i32 to vector<16xi32>
    %sub3A_201 = arith.subi %sub3A_200, %add3A_191 : vector<16xi32>
    %add3A_202 = arith.addi %get3A_198, %sub3A_201 : vector<16xi32>
    %get3A_203 = arith.constant 112 : index
    %get3A_204 = tpu.vector_load %arg9[%get3A_203] {strides = array<i32>} : memref<128xi32, #tpu.memory_space<vmem>>, vector<16xi32>,
    %get3A_205 = vector.shape_cast %get3A_204 : vector<16xi32> to vector<16xi32>
    %sub3A_206 = arith.subi %add3A_202, %get3A_205 : vector<16xi32>
    %swap3A_207 = arith.constant 112 : index
    %swap3A_208 = tpu.vector_load %arg7[%swap3A_207] {strides = array<i32>} : memref<128xi32, #tpu.memory_space<vmem>>, vector<16xi32>,
    %swap3A_209 = vector.shape_cast %swap3A_208 : vector<16xi32> to vector<16xi32>
    %swap3A_210 = vector.shape_cast %sub3A_206 : vector<16xi32> to vector<16xi32>
    tpu.vector_store %arg7[%swap3A_207], %swap3A_210 {strides = array<i32>} : memref<128xi32, #tpu.memory_space<vmem>>, vector<16xi32>,
    "tpu.region"() ({
      %run_scoped3A = tpu.sem_alloc : memref<!tpu.dma_semaphore, #tpu.memory_space<semaphore_mem>>
      %dma_start3A = arith.constant 0 : i32
      %dma_start3A_433 = arith.constant 0 : i32
      %dma_start3A_434 = tpu.memref_slice %arg5[%dma_start3A, %dma_start3A_433] : memref<10000x128xf32, #tpu.memory_space<hbm>> -> memref<10000x128xf32, #tpu.memory_space<hbm>>
      tpu.enqueue_indirect_dma source(%arg10 : memref<128x128xf32, #tpu.memory_space<vmem>>) target(%dma_start3A_434 : memref<10000x128xf32, #tpu.memory_space<hbm>>) offsets(%arg7 : memref<128xi32, #tpu.memory_space<vmem>>) semaphore(%run_scoped3A : memref<!tpu.dma_semaphore, #tpu.memory_space<semaphore_mem>>)
      %dma_wait3A = arith.constant 0 : i32
      %dma_wait3A_435 = arith.constant 0 : i32
      %dma_wait3A_436 = tpu.memref_slice %arg5[%dma_wait3A, %dma_wait3A_435] : memref<10000x128xf32, #tpu.memory_space<hbm>> -> memref<10000x128xf32, #tpu.memory_space<hbm>>
      tpu.wait_indirect_dma semaphore(%run_scoped3A : memref<!tpu.dma_semaphore, #tpu.memory_space<semaphore_mem>>) src(%arg10 : memref<128x128xf32, #tpu.memory_space<vmem>>) dst(%dma_wait3A_436 : memref<10000x128xf32, #tpu.memory_space<hbm>>)
      tpu.yield
    }) : () -> ()
    "tpu.region"() ({
      %run_scoped3A = tpu.sem_alloc : memref<!tpu.dma_semaphore, #tpu.memory_space<semaphore_mem>>
      %dma_start3A = arith.constant 0 : i32
      %dma_start3A_433 = tpu.memref_slice %arg6[%dma_start3A] : memref<10000xi32, #tpu.memory_space<hbm>> -> memref<10000xi32, #tpu.memory_space<hbm>>
      tpu.enqueue_indirect_dma source(%arg11 : memref<128xi32, #tpu.memory_space<vmem>>) target(%dma_start3A_433 : memref<10000xi32, #tpu.memory_space<hbm>>) offsets(%arg7 : memref<128xi32, #tpu.memory_space<vmem>>) semaphore(%run_scoped3A : memref<!tpu.dma_semaphore, #tpu.memory_space<semaphore_mem>>)
      %dma_wait3A = arith.constant 0 : i32
      %dma_wait3A_434 = tpu.memref_slice %arg6[%dma_wait3A] : memref<10000xi32, #tpu.memory_space<hbm>> -> memref<10000xi32, #tpu.memory_space<hbm>>
      tpu.wait_indirect_dma semaphore(%run_scoped3A : memref<!tpu.dma_semaphore, #tpu.memory_space<semaphore_mem>>) src(%arg11 : memref<128xi32, #tpu.memory_space<vmem>>) dst(%dma_wait3A_434 : memref<10000xi32, #tpu.memory_space<hbm>>)
      tpu.yield
    }) : () -> ()
    %add3A_211 = arith.constant 32 : i32
    %add3A_212 = arith.addi %add3A, %add3A_211 : i32
    %mul3A_213 = arith.constant 128 : i32
    %mul3A_214 = arith.muli %add3A_212, %mul3A_213 : i32
    "tpu.region"() ({
      %run_scoped3A = tpu.sem_alloc : memref<!tpu.dma_semaphore, #tpu.memory_space<semaphore_mem>>
      %dma_start3A = tpu.memref_slice %arg3[%mul3A_214] : memref<10240xi32, #tpu.memory_space<hbm>> -> memref<128xi32, #tpu.memory_space<hbm>>
      %dma_start3A_433 = tpu.memref_slice %arg3[%mul3A_214] : memref<10240xi32, #tpu.memory_space<hbm>> -> memref<128xi32, #tpu.memory_space<hbm>>
      tpu.enqueue_dma source(%dma_start3A_433 : memref<128xi32, #tpu.memory_space<hbm>>) target(%arg8 : memref<128xi32, #tpu.memory_space<vmem>>) target_semaphore(%run_scoped3A : memref<!tpu.dma_semaphore, #tpu.memory_space<semaphore_mem>>)
      %dma_wait3A = tpu.memref_slice %arg3[%mul3A_214] : memref<10240xi32, #tpu.memory_space<hbm>> -> memref<128xi32, #tpu.memory_space<hbm>>
      %dma_wait3A_434 = tpu.memref_slice %arg3[%mul3A_214] : memref<10240xi32, #tpu.memory_space<hbm>> -> memref<128xi32, #tpu.memory_space<hbm>>
      tpu.wait_dma2 semaphore(%run_scoped3A : memref<!tpu.dma_semaphore, #tpu.memory_space<semaphore_mem>>) src(%dma_wait3A_434 : memref<128xi32, #tpu.memory_space<hbm>>) dst(%arg8 : memref<128xi32, #tpu.memory_space<vmem>>)
      tpu.yield
    }) : () -> ()
    %mul3A_215 = arith.constant 128 : i32
    %mul3A_216 = arith.muli %add3A_212, %mul3A_215 : i32
    "tpu.region"() ({
      %run_scoped3A = tpu.sem_alloc : memref<!tpu.dma_semaphore, #tpu.memory_space<semaphore_mem>>
      %dma_start3A = tpu.memref_slice %arg4[%mul3A_216] : memref<10240xi32, #tpu.memory_space<hbm>> -> memref<128xi32, #tpu.memory_space<hbm>>
      %dma_start3A_433 = tpu.memref_slice %arg4[%mul3A_216] : memref<10240xi32, #tpu.memory_space<hbm>> -> memref<128xi32, #tpu.memory_space<hbm>>
      tpu.enqueue_dma source(%dma_start3A_433 : memref<128xi32, #tpu.memory_space<hbm>>) target(%arg9 : memref<128xi32, #tpu.memory_space<vmem>>) target_semaphore(%run_scoped3A : memref<!tpu.dma_semaphore, #tpu.memory_space<semaphore_mem>>)
      %dma_wait3A = tpu.memref_slice %arg4[%mul3A_216] : memref<10240xi32, #tpu.memory_space<hbm>> -> memref<128xi32, #tpu.memory_space<hbm>>
      %dma_wait3A_434 = tpu.memref_slice %arg4[%mul3A_216] : memref<10240xi32, #tpu.memory_space<hbm>> -> memref<128xi32, #tpu.memory_space<hbm>>
      tpu.wait_dma2 semaphore(%run_scoped3A : memref<!tpu.dma_semaphore, #tpu.memory_space<semaphore_mem>>) src(%dma_wait3A_434 : memref<128xi32, #tpu.memory_space<hbm>>) dst(%arg9 : memref<128xi32, #tpu.memory_space<vmem>>)
      tpu.yield
    }) : () -> ()
    %mul3A_217 = arith.constant 128 : i32
    %mul3A_218 = arith.muli %add3A_212, %mul3A_217 : i32
    "tpu.region"() ({
      %run_scoped3A = tpu.sem_alloc : memref<!tpu.dma_semaphore, #tpu.memory_space<semaphore_mem>>
      %dma_start3A = arith.constant 0 : i32
      %dma_start3A_433 = tpu.memref_slice %arg2[%mul3A_218, %dma_start3A] : memref<10000x128xf32, #tpu.memory_space<hbm>> -> memref<128x128xf32, #tpu.memory_space<hbm>>
      %dma_start3A_434 = arith.constant 0 : i32
      %dma_start3A_435 = tpu.memref_slice %arg2[%mul3A_218, %dma_start3A_434] : memref<10000x128xf32, #tpu.memory_space<hbm>> -> memref<128x128xf32, #tpu.memory_space<hbm>>
      tpu.enqueue_dma source(%dma_start3A_435 : memref<128x128xf32, #tpu.memory_space<hbm>>) target(%arg10 : memref<128x128xf32, #tpu.memory_space<vmem>>) target_semaphore(%run_scoped3A : memref<!tpu.dma_semaphore, #tpu.memory_space<semaphore_mem>>)
      %dma_wait3A = arith.constant 0 : i32
      %dma_wait3A_436 = tpu.memref_slice %arg2[%mul3A_218, %dma_wait3A] : memref<10000x128xf32, #tpu.memory_space<hbm>> -> memref<128x128xf32, #tpu.memory_space<hbm>>
      %dma_wait3A_437 = arith.constant 0 : i32
      %dma_wait3A_438 = tpu.memref_slice %arg2[%mul3A_218, %dma_wait3A_437] : memref<10000x128xf32, #tpu.memory_space<hbm>> -> memref<128x128xf32, #tpu.memory_space<hbm>>
      tpu.wait_dma2 semaphore(%run_scoped3A : memref<!tpu.dma_semaphore, #tpu.memory_space<semaphore_mem>>) src(%dma_wait3A_438 : memref<128x128xf32, #tpu.memory_space<hbm>>) dst(%arg10 : memref<128x128xf32, #tpu.memory_space<vmem>>)
      tpu.yield
    }) : () -> ()
    %mul3A_219 = arith.constant 128 : i32
    %mul3A_220 = arith.muli %add3A_212, %mul3A_219 : i32
    %add3A_221 = arith.constant 0 : i32
    %add3A_222 = arith.addi %mul3A_220, %add3A_221 : i32
    %iota3A_223 = tpu.iota {dimensions = array<i32: 0>} : vector<16xi32>
    %add3A_224 = vector.broadcast %add3A_222 : i32 to vector<16xi32>
    %add3A_225 = arith.addi %add3A_224, %iota3A_223 : vector<16xi32>
    %swap3A_226 = arith.constant 0 : index
    %swap3A_227 = tpu.vector_load %arg11[%swap3A_226] {strides = array<i32>} : memref<128xi32, #tpu.memory_space<vmem>>, vector<16xi32>,
    %swap3A_228 = vector.shape_cast %swap3A_227 : vector<16xi32> to vector<16xi32>
    %swap3A_229 = vector.shape_cast %add3A_225 : vector<16xi32> to vector<16xi32>
    tpu.vector_store %arg11[%swap3A_226], %swap3A_229 {strides = array<i32>} : memref<128xi32, #tpu.memory_space<vmem>>, vector<16xi32>,
    %get3A_230 = arith.constant 0 : index
    %get3A_231 = tpu.vector_load %arg8[%get3A_230] {strides = array<i32>} : memref<128xi32, #tpu.memory_space<vmem>>, vector<16xi32>,
    %get3A_232 = vector.shape_cast %get3A_231 : vector<16xi32> to vector<16xi32>
    %sub3A_233 = arith.constant 10239 : i32
    %sub3A_234 = vector.broadcast %sub3A_233 : i32 to vector<16xi32>
    %sub3A_235 = arith.subi %sub3A_234, %add3A_225 : vector<16xi32>
    %add3A_236 = arith.addi %get3A_232, %sub3A_235 : vector<16xi32>
    %get3A_237 = arith.constant 0 : index
    %get3A_238 = tpu.vector_load %arg9[%get3A_237] {strides = array<i32>} : memref<128xi32, #tpu.memory_space<vmem>>, vector<16xi32>,
    %get3A_239 = vector.shape_cast %get3A_238 : vector<16xi32> to vector<16xi32>
    %sub3A_240 = arith.subi %add3A_236, %get3A_239 : vector<16xi32>
    %swap3A_241 = arith.constant 0 : index
    %swap3A_242 = tpu.vector_load %arg7[%swap3A_241] {strides = array<i32>} : memref<128xi32, #tpu.memory_space<vmem>>, vector<16xi32>,
    %swap3A_243 = vector.shape_cast %swap3A_242 : vector<16xi32> to vector<16xi32>
    %swap3A_244 = vector.shape_cast %sub3A_240 : vector<16xi32> to vector<16xi32>
    tpu.vector_store %arg7[%swap3A_241], %swap3A_244 {strides = array<i32>} : memref<128xi32, #tpu.memory_space<vmem>>, vector<16xi32>,
    %mul3A_245 = arith.constant 128 : i32
    %mul3A_246 = arith.muli %add3A_212, %mul3A_245 : i32
    %add3A_247 = arith.constant 16 : i32
    %add3A_248 = arith.addi %mul3A_246, %add3A_247 : i32
    %iota3A_249 = tpu.iota {dimensions = array<i32: 0>} : vector<16xi32>
    %add3A_250 = vector.broadcast %add3A_248 : i32 to vector<16xi32>
    %add3A_251 = arith.addi %add3A_250, %iota3A_249 : vector<16xi32>
    %swap3A_252 = arith.constant 16 : index
    %swap3A_253 = tpu.vector_load %arg11[%swap3A_252] {strides = array<i32>} : memref<128xi32, #tpu.memory_space<vmem>>, vector<16xi32>,
    %swap3A_254 = vector.shape_cast %swap3A_253 : vector<16xi32> to vector<16xi32>
    %swap3A_255 = vector.shape_cast %add3A_251 : vector<16xi32> to vector<16xi32>
    tpu.vector_store %arg11[%swap3A_252], %swap3A_255 {strides = array<i32>} : memref<128xi32, #tpu.memory_space<vmem>>, vector<16xi32>,
    %get3A_256 = arith.constant 16 : index
    %get3A_257 = tpu.vector_load %arg8[%get3A_256] {strides = array<i32>} : memref<128xi32, #tpu.memory_space<vmem>>, vector<16xi32>,
    %get3A_258 = vector.shape_cast %get3A_257 : vector<16xi32> to vector<16xi32>
    %sub3A_259 = arith.constant 10239 : i32
    %sub3A_260 = vector.broadcast %sub3A_259 : i32 to vector<16xi32>
    %sub3A_261 = arith.subi %sub3A_260, %add3A_251 : vector<16xi32>
    %add3A_262 = arith.addi %get3A_258, %sub3A_261 : vector<16xi32>
    %get3A_263 = arith.constant 16 : index
    %get3A_264 = tpu.vector_load %arg9[%get3A_263] {strides = array<i32>} : memref<128xi32, #tpu.memory_space<vmem>>, vector<16xi32>,
    %get3A_265 = vector.shape_cast %get3A_264 : vector<16xi32> to vector<16xi32>
    %sub3A_266 = arith.subi %add3A_262, %get3A_265 : vector<16xi32>
    %swap3A_267 = arith.constant 16 : index
    %swap3A_268 = tpu.vector_load %arg7[%swap3A_267] {strides = array<i32>} : memref<128xi32, #tpu.memory_space<vmem>>, vector<16xi32>,
    %swap3A_269 = vector.shape_cast %swap3A_268 : vector<16xi32> to vector<16xi32>
    %swap3A_270 = vector.shape_cast %sub3A_266 : vector<16xi32> to vector<16xi32>
    tpu.vector_store %arg7[%swap3A_267], %swap3A_270 {strides = array<i32>} : memref<128xi32, #tpu.memory_space<vmem>>, vector<16xi32>,
    %mul3A_271 = arith.constant 128 : i32
    %mul3A_272 = arith.muli %add3A_212, %mul3A_271 : i32
    %add3A_273 = arith.constant 32 : i32
    %add3A_274 = arith.addi %mul3A_272, %add3A_273 : i32
    %iota3A_275 = tpu.iota {dimensions = array<i32: 0>} : vector<16xi32>
    %add3A_276 = vector.broadcast %add3A_274 : i32 to vector<16xi32>
    %add3A_277 = arith.addi %add3A_276, %iota3A_275 : vector<16xi32>
    %swap3A_278 = arith.constant 32 : index
    %swap3A_279 = tpu.vector_load %arg11[%swap3A_278] {strides = array<i32>} : memref<128xi32, #tpu.memory_space<vmem>>, vector<16xi32>,
    %swap3A_280 = vector.shape_cast %swap3A_279 : vector<16xi32> to vector<16xi32>
    %swap3A_281 = vector.shape_cast %add3A_277 : vector<16xi32> to vector<16xi32>
    tpu.vector_store %arg11[%swap3A_278], %swap3A_281 {strides = array<i32>} : memref<128xi32, #tpu.memory_space<vmem>>, vector<16xi32>,
    %get3A_282 = arith.constant 32 : index
    %get3A_283 = tpu.vector_load %arg8[%get3A_282] {strides = array<i32>} : memref<128xi32, #tpu.memory_space<vmem>>, vector<16xi32>,
    %get3A_284 = vector.shape_cast %get3A_283 : vector<16xi32> to vector<16xi32>
    %sub3A_285 = arith.constant 10239 : i32
    %sub3A_286 = vector.broadcast %sub3A_285 : i32 to vector<16xi32>
    %sub3A_287 = arith.subi %sub3A_286, %add3A_277 : vector<16xi32>
    %add3A_288 = arith.addi %get3A_284, %sub3A_287 : vector<16xi32>
    %get3A_289 = arith.constant 32 : index
    %get3A_290 = tpu.vector_load %arg9[%get3A_289] {strides = array<i32>} : memref<128xi32, #tpu.memory_space<vmem>>, vector<16xi32>,
    %get3A_291 = vector.shape_cast %get3A_290 : vector<16xi32> to vector<16xi32>
    %sub3A_292 = arith.subi %add3A_288, %get3A_291 : vector<16xi32>
    %swap3A_293 = arith.constant 32 : index
    %swap3A_294 = tpu.vector_load %arg7[%swap3A_293] {strides = array<i32>} : memref<128xi32, #tpu.memory_space<vmem>>, vector<16xi32>,
    %swap3A_295 = vector.shape_cast %swap3A_294 : vector<16xi32> to vector<16xi32>
    %swap3A_296 = vector.shape_cast %sub3A_292 : vector<16xi32> to vector<16xi32>
    tpu.vector_store %arg7[%swap3A_293], %swap3A_296 {strides = array<i32>} : memref<128xi32, #tpu.memory_space<vmem>>, vector<16xi32>,
    %mul3A_297 = arith.constant 128 : i32
    %mul3A_298 = arith.muli %add3A_212, %mul3A_297 : i32
    %add3A_299 = arith.constant 48 : i32
    %add3A_300 = arith.addi %mul3A_298, %add3A_299 : i32
    %iota3A_301 = tpu.iota {dimensions = array<i32: 0>} : vector<16xi32>
    %add3A_302 = vector.broadcast %add3A_300 : i32 to vector<16xi32>
    %add3A_303 = arith.addi %add3A_302, %iota3A_301 : vector<16xi32>
    %swap3A_304 = arith.constant 48 : index
    %swap3A_305 = tpu.vector_load %arg11[%swap3A_304] {strides = array<i32>} : memref<128xi32, #tpu.memory_space<vmem>>, vector<16xi32>,
    %swap3A_306 = vector.shape_cast %swap3A_305 : vector<16xi32> to vector<16xi32>
    %swap3A_307 = vector.shape_cast %add3A_303 : vector<16xi32> to vector<16xi32>
    tpu.vector_store %arg11[%swap3A_304], %swap3A_307 {strides = array<i32>} : memref<128xi32, #tpu.memory_space<vmem>>, vector<16xi32>,
    %get3A_308 = arith.constant 48 : index
    %get3A_309 = tpu.vector_load %arg8[%get3A_308] {strides = array<i32>} : memref<128xi32, #tpu.memory_space<vmem>>, vector<16xi32>,
    %get3A_310 = vector.shape_cast %get3A_309 : vector<16xi32> to vector<16xi32>
    %sub3A_311 = arith.constant 10239 : i32
    %sub3A_312 = vector.broadcast %sub3A_311 : i32 to vector<16xi32>
    %sub3A_313 = arith.subi %sub3A_312, %add3A_303 : vector<16xi32>
    %add3A_314 = arith.addi %get3A_310, %sub3A_313 : vector<16xi32>
    %get3A_315 = arith.constant 48 : index
    %get3A_316 = tpu.vector_load %arg9[%get3A_315] {strides = array<i32>} : memref<128xi32, #tpu.memory_space<vmem>>, vector<16xi32>,
    %get3A_317 = vector.shape_cast %get3A_316 : vector<16xi32> to vector<16xi32>
    %sub3A_318 = arith.subi %add3A_314, %get3A_317 : vector<16xi32>
    %swap3A_319 = arith.constant 48 : index
    %swap3A_320 = tpu.vector_load %arg7[%swap3A_319] {strides = array<i32>} : memref<128xi32, #tpu.memory_space<vmem>>, vector<16xi32>,
    %swap3A_321 = vector.shape_cast %swap3A_320 : vector<16xi32> to vector<16xi32>
    %swap3A_322 = vector.shape_cast %sub3A_318 : vector<16xi32> to vector<16xi32>
    tpu.vector_store %arg7[%swap3A_319], %swap3A_322 {strides = array<i32>} : memref<128xi32, #tpu.memory_space<vmem>>, vector<16xi32>,
    %mul3A_323 = arith.constant 128 : i32
    %mul3A_324 = arith.muli %add3A_212, %mul3A_323 : i32
    %add3A_325 = arith.constant 64 : i32
    %add3A_326 = arith.addi %mul3A_324, %add3A_325 : i32
    %iota3A_327 = tpu.iota {dimensions = array<i32: 0>} : vector<16xi32>
    %add3A_328 = vector.broadcast %add3A_326 : i32 to vector<16xi32>
    %add3A_329 = arith.addi %add3A_328, %iota3A_327 : vector<16xi32>
    %swap3A_330 = arith.constant 64 : index
    %swap3A_331 = tpu.vector_load %arg11[%swap3A_330] {strides = array<i32>} : memref<128xi32, #tpu.memory_space<vmem>>, vector<16xi32>,
    %swap3A_332 = vector.shape_cast %swap3A_331 : vector<16xi32> to vector<16xi32>
    %swap3A_333 = vector.shape_cast %add3A_329 : vector<16xi32> to vector<16xi32>
    tpu.vector_store %arg11[%swap3A_330], %swap3A_333 {strides = array<i32>} : memref<128xi32, #tpu.memory_space<vmem>>, vector<16xi32>,
    %get3A_334 = arith.constant 64 : index
    %get3A_335 = tpu.vector_load %arg8[%get3A_334] {strides = array<i32>} : memref<128xi32, #tpu.memory_space<vmem>>, vector<16xi32>,
    %get3A_336 = vector.shape_cast %get3A_335 : vector<16xi32> to vector<16xi32>
    %sub3A_337 = arith.constant 10239 : i32
    %sub3A_338 = vector.broadcast %sub3A_337 : i32 to vector<16xi32>
    %sub3A_339 = arith.subi %sub3A_338, %add3A_329 : vector<16xi32>
    %add3A_340 = arith.addi %get3A_336, %sub3A_339 : vector<16xi32>
    %get3A_341 = arith.constant 64 : index
    %get3A_342 = tpu.vector_load %arg9[%get3A_341] {strides = array<i32>} : memref<128xi32, #tpu.memory_space<vmem>>, vector<16xi32>,
    %get3A_343 = vector.shape_cast %get3A_342 : vector<16xi32> to vector<16xi32>
    %sub3A_344 = arith.subi %add3A_340, %get3A_343 : vector<16xi32>
    %swap3A_345 = arith.constant 64 : index
    %swap3A_346 = tpu.vector_load %arg7[%swap3A_345] {strides = array<i32>} : memref<128xi32, #tpu.memory_space<vmem>>, vector<16xi32>,
    %swap3A_347 = vector.shape_cast %swap3A_346 : vector<16xi32> to vector<16xi32>
    %swap3A_348 = vector.shape_cast %sub3A_344 : vector<16xi32> to vector<16xi32>
    tpu.vector_store %arg7[%swap3A_345], %swap3A_348 {strides = array<i32>} : memref<128xi32, #tpu.memory_space<vmem>>, vector<16xi32>,
    %mul3A_349 = arith.constant 128 : i32
    %mul3A_350 = arith.muli %add3A_212, %mul3A_349 : i32
    %add3A_351 = arith.constant 80 : i32
    %add3A_352 = arith.addi %mul3A_350, %add3A_351 : i32
    %iota3A_353 = tpu.iota {dimensions = array<i32: 0>} : vector<16xi32>
    %add3A_354 = vector.broadcast %add3A_352 : i32 to vector<16xi32>
    %add3A_355 = arith.addi %add3A_354, %iota3A_353 : vector<16xi32>
    %swap3A_356 = arith.constant 80 : index
    %swap3A_357 = tpu.vector_load %arg11[%swap3A_356] {strides = array<i32>} : memref<128xi32, #tpu.memory_space<vmem>>, vector<16xi32>,
    %swap3A_358 = vector.shape_cast %swap3A_357 : vector<16xi32> to vector<16xi32>
    %swap3A_359 = vector.shape_cast %add3A_355 : vector<16xi32> to vector<16xi32>
    tpu.vector_store %arg11[%swap3A_356], %swap3A_359 {strides = array<i32>} : memref<128xi32, #tpu.memory_space<vmem>>, vector<16xi32>,
    %get3A_360 = arith.constant 80 : index
    %get3A_361 = tpu.vector_load %arg8[%get3A_360] {strides = array<i32>} : memref<128xi32, #tpu.memory_space<vmem>>, vector<16xi32>,
    %get3A_362 = vector.shape_cast %get3A_361 : vector<16xi32> to vector<16xi32>
    %sub3A_363 = arith.constant 10239 : i32
    %sub3A_364 = vector.broadcast %sub3A_363 : i32 to vector<16xi32>
    %sub3A_365 = arith.subi %sub3A_364, %add3A_355 : vector<16xi32>
    %add3A_366 = arith.addi %get3A_362, %sub3A_365 : vector<16xi32>
    %get3A_367 = arith.constant 80 : index
    %get3A_368 = tpu.vector_load %arg9[%get3A_367] {strides = array<i32>} : memref<128xi32, #tpu.memory_space<vmem>>, vector<16xi32>,
    %get3A_369 = vector.shape_cast %get3A_368 : vector<16xi32> to vector<16xi32>
    %sub3A_370 = arith.subi %add3A_366, %get3A_369 : vector<16xi32>
    %swap3A_371 = arith.constant 80 : index
    %swap3A_372 = tpu.vector_load %arg7[%swap3A_371] {strides = array<i32>} : memref<128xi32, #tpu.memory_space<vmem>>, vector<16xi32>,
    %swap3A_373 = vector.shape_cast %swap3A_372 : vector<16xi32> to vector<16xi32>
    %swap3A_374 = vector.shape_cast %sub3A_370 : vector<16xi32> to vector<16xi32>
    tpu.vector_store %arg7[%swap3A_371], %swap3A_374 {strides = array<i32>} : memref<128xi32, #tpu.memory_space<vmem>>, vector<16xi32>,
    %mul3A_375 = arith.constant 128 : i32
    %mul3A_376 = arith.muli %add3A_212, %mul3A_375 : i32
    %add3A_377 = arith.constant 96 : i32
    %add3A_378 = arith.addi %mul3A_376, %add3A_377 : i32
    %iota3A_379 = tpu.iota {dimensions = array<i32: 0>} : vector<16xi32>
    %add3A_380 = vector.broadcast %add3A_378 : i32 to vector<16xi32>
    %add3A_381 = arith.addi %add3A_380, %iota3A_379 : vector<16xi32>
    %swap3A_382 = arith.constant 96 : index
    %swap3A_383 = tpu.vector_load %arg11[%swap3A_382] {strides = array<i32>} : memref<128xi32, #tpu.memory_space<vmem>>, vector<16xi32>,
    %swap3A_384 = vector.shape_cast %swap3A_383 : vector<16xi32> to vector<16xi32>
    %swap3A_385 = vector.shape_cast %add3A_381 : vector<16xi32> to vector<16xi32>
    tpu.vector_store %arg11[%swap3A_382], %swap3A_385 {strides = array<i32>} : memref<128xi32, #tpu.memory_space<vmem>>, vector<16xi32>,
    %get3A_386 = arith.constant 96 : index
    %get3A_387 = tpu.vector_load %arg8[%get3A_386] {strides = array<i32>} : memref<128xi32, #tpu.memory_space<vmem>>, vector<16xi32>,
    %get3A_388 = vector.shape_cast %get3A_387 : vector<16xi32> to vector<16xi32>
    %sub3A_389 = arith.constant 10239 : i32
    %sub3A_390 = vector.broadcast %sub3A_389 : i32 to vector<16xi32>
    %sub3A_391 = arith.subi %sub3A_390, %add3A_381 : vector<16xi32>
    %add3A_392 = arith.addi %get3A_388, %sub3A_391 : vector<16xi32>
    %get3A_393 = arith.constant 96 : index
    %get3A_394 = tpu.vector_load %arg9[%get3A_393] {strides = array<i32>} : memref<128xi32, #tpu.memory_space<vmem>>, vector<16xi32>,
    %get3A_395 = vector.shape_cast %get3A_394 : vector<16xi32> to vector<16xi32>
    %sub3A_396 = arith.subi %add3A_392, %get3A_395 : vector<16xi32>
    %swap3A_397 = arith.constant 96 : index
    %swap3A_398 = tpu.vector_load %arg7[%swap3A_397] {strides = array<i32>} : memref<128xi32, #tpu.memory_space<vmem>>, vector<16xi32>,
    %swap3A_399 = vector.shape_cast %swap3A_398 : vector<16xi32> to vector<16xi32>
    %swap3A_400 = vector.shape_cast %sub3A_396 : vector<16xi32> to vector<16xi32>
    tpu.vector_store %arg7[%swap3A_397], %swap3A_400 {strides = array<i32>} : memref<128xi32, #tpu.memory_space<vmem>>, vector<16xi32>,
    %mul3A_401 = arith.constant 128 : i32
    %mul3A_402 = arith.muli %add3A_212, %mul3A_401 : i32
    %add3A_403 = arith.constant 112 : i32
    %add3A_404 = arith.addi %mul3A_402, %add3A_403 : i32
    %iota3A_405 = tpu.iota {dimensions = array<i32: 0>} : vector<16xi32>
    %add3A_406 = vector.broadcast %add3A_404 : i32 to vector<16xi32>
    %add3A_407 = arith.addi %add3A_406, %iota3A_405 : vector<16xi32>
    %swap3A_408 = arith.constant 112 : index
    %swap3A_409 = tpu.vector_load %arg11[%swap3A_408] {strides = array<i32>} : memref<128xi32, #tpu.memory_space<vmem>>, vector<16xi32>,
    %swap3A_410 = vector.shape_cast %swap3A_409 : vector<16xi32> to vector<16xi32>
    %swap3A_411 = vector.shape_cast %add3A_407 : vector<16xi32> to vector<16xi32>
    tpu.vector_store %arg11[%swap3A_408], %swap3A_411 {strides = array<i32>} : memref<128xi32, #tpu.memory_space<vmem>>, vector<16xi32>,
    %get3A_412 = arith.constant 112 : index
    %get3A_413 = tpu.vector_load %arg8[%get3A_412] {strides = array<i32>} : memref<128xi32, #tpu.memory_space<vmem>>, vector<16xi32>,
    %get3A_414 = vector.shape_cast %get3A_413 : vector<16xi32> to vector<16xi32>
    %sub3A_415 = arith.constant 10239 : i32
    %sub3A_416 = vector.broadcast %sub3A_415 : i32 to vector<16xi32>
    %sub3A_417 = arith.subi %sub3A_416, %add3A_407 : vector<16xi32>
    %add3A_418 = arith.addi %get3A_414, %sub3A_417 : vector<16xi32>
    %get3A_419 = arith.constant 112 : index
    %get3A_420 = tpu.vector_load %arg9[%get3A_419] {strides = array<i32>} : memref<128xi32, #tpu.memory_space<vmem>>, vector<16xi32>,
    %get3A_421 = vector.shape_cast %get3A_420 : vector<16xi32> to vector<16xi32>
    %sub3A_422 = arith.subi %add3A_418, %get3A_421 : vector<16xi32>
    %swap3A_423 = arith.constant 112 : index
    %swap3A_424 = tpu.vector_load %arg7[%swap3A_423] {strides = array<i32>} : memref<128xi32, #tpu.memory_space<vmem>>, vector<16xi32>,
    %swap3A_425 = vector.shape_cast %swap3A_424 : vector<16xi32> to vector<16xi32>
    %swap3A_426 = vector.shape_cast %sub3A_422 : vector<16xi32> to vector<16xi32>
    tpu.vector_store %arg7[%swap3A_423], %swap3A_426 {strides = array<i32>} : memref<128xi32, #tpu.memory_space<vmem>>, vector<16xi32>,
    "tpu.region"() ({
      %run_scoped3A = tpu.sem_alloc : memref<!tpu.dma_semaphore, #tpu.memory_space<semaphore_mem>>
      %dma_start3A = arith.constant 0 : i32
      %dma_start3A_433 = arith.constant 0 : i32
      %dma_start3A_434 = tpu.memref_slice %arg5[%dma_start3A, %dma_start3A_433] : memref<10000x128xf32, #tpu.memory_space<hbm>> -> memref<10000x128xf32, #tpu.memory_space<hbm>>
      tpu.enqueue_indirect_dma source(%arg10 : memref<128x128xf32, #tpu.memory_space<vmem>>) target(%dma_start3A_434 : memref<10000x128xf32, #tpu.memory_space<hbm>>) offsets(%arg7 : memref<128xi32, #tpu.memory_space<vmem>>) semaphore(%run_scoped3A : memref<!tpu.dma_semaphore, #tpu.memory_space<semaphore_mem>>)
      %dma_wait3A = arith.constant 0 : i32
      %dma_wait3A_435 = arith.constant 0 : i32
      %dma_wait3A_436 = tpu.memref_slice %arg5[%dma_wait3A, %dma_wait3A_435] : memref<10000x128xf32, #tpu.memory_space<hbm>> -> memref<10000x128xf32, #tpu.memory_space<hbm>>
      tpu.wait_indirect_dma semaphore(%run_scoped3A : memref<!tpu.dma_semaphore, #tpu.memory_space<semaphore_mem>>) src(%arg10 : memref<128x128xf32, #tpu.memory_space<vmem>>) dst(%dma_wait3A_436 : memref<10000x128xf32, #tpu.memory_space<hbm>>)
      tpu.yield
    }) : () -> ()
    "tpu.region"() ({
      %run_scoped3A = tpu.sem_alloc : memref<!tpu.dma_semaphore, #tpu.memory_space<semaphore_mem>>
      %dma_start3A = arith.constant 0 : i32
      %dma_start3A_433 = tpu.memref_slice %arg6[%dma_start3A] : memref<10000xi32, #tpu.memory_space<hbm>> -> memref<10000xi32, #tpu.memory_space<hbm>>
      tpu.enqueue_indirect_dma source(%arg11 : memref<128xi32, #tpu.memory_space<vmem>>) target(%dma_start3A_433 : memref<10000xi32, #tpu.memory_space<hbm>>) offsets(%arg7 : memref<128xi32, #tpu.memory_space<vmem>>) semaphore(%run_scoped3A : memref<!tpu.dma_semaphore, #tpu.memory_space<semaphore_mem>>)
      %dma_wait3A = arith.constant 0 : i32
      %dma_wait3A_434 = tpu.memref_slice %arg6[%dma_wait3A] : memref<10000xi32, #tpu.memory_space<hbm>> -> memref<10000xi32, #tpu.memory_space<hbm>>
      tpu.wait_indirect_dma semaphore(%run_scoped3A : memref<!tpu.dma_semaphore, #tpu.memory_space<semaphore_mem>>) src(%arg11 : memref<128xi32, #tpu.memory_space<vmem>>) dst(%dma_wait3A_434 : memref<10000xi32, #tpu.memory_space<hbm>>)
      tpu.yield
    }) : () -> ()
    %lt3A = arith.constant 14 : i32
    %lt3A_427 = arith.cmpi slt, %add3A, %lt3A : i32
    %convert_element_type3A = arith.extui %lt3A_427 : i1 to i32
    %cond3A = arith.constant 0 : i32
    %cond3A_428 = arith.cmpi ne, %convert_element_type3A, %cond3A : i32
    scf.if %cond3A_428 {
      %add3A_433 = arith.constant 64 : i32
      %add3A_434 = arith.addi %add3A, %add3A_433 : i32
      %mul3A_435 = arith.constant 128 : i32
      %mul3A_436 = arith.muli %add3A_434, %mul3A_435 : i32
      "tpu.region"() ({
        %run_scoped3A = tpu.sem_alloc : memref<!tpu.dma_semaphore, #tpu.memory_space<semaphore_mem>>
        %dma_start3A = tpu.memref_slice %arg3[%mul3A_436] : memref<10240xi32, #tpu.memory_space<hbm>> -> memref<128xi32, #tpu.memory_space<hbm>>
        %dma_start3A_649 = tpu.memref_slice %arg3[%mul3A_436] : memref<10240xi32, #tpu.memory_space<hbm>> -> memref<128xi32, #tpu.memory_space<hbm>>
        tpu.enqueue_dma source(%dma_start3A_649 : memref<128xi32, #tpu.memory_space<hbm>>) target(%arg8 : memref<128xi32, #tpu.memory_space<vmem>>) target_semaphore(%run_scoped3A : memref<!tpu.dma_semaphore, #tpu.memory_space<semaphore_mem>>)
        %dma_wait3A = tpu.memref_slice %arg3[%mul3A_436] : memref<10240xi32, #tpu.memory_space<hbm>> -> memref<128xi32, #tpu.memory_space<hbm>>
        %dma_wait3A_650 = tpu.memref_slice %arg3[%mul3A_436] : memref<10240xi32, #tpu.memory_space<hbm>> -> memref<128xi32, #tpu.memory_space<hbm>>
        tpu.wait_dma2 semaphore(%run_scoped3A : memref<!tpu.dma_semaphore, #tpu.memory_space<semaphore_mem>>) src(%dma_wait3A_650 : memref<128xi32, #tpu.memory_space<hbm>>) dst(%arg8 : memref<128xi32, #tpu.memory_space<vmem>>)
        tpu.yield
      }) : () -> ()
      %mul3A_437 = arith.constant 128 : i32
      %mul3A_438 = arith.muli %add3A_434, %mul3A_437 : i32
      "tpu.region"() ({
        %run_scoped3A = tpu.sem_alloc : memref<!tpu.dma_semaphore, #tpu.memory_space<semaphore_mem>>
        %dma_start3A = tpu.memref_slice %arg4[%mul3A_438] : memref<10240xi32, #tpu.memory_space<hbm>> -> memref<128xi32, #tpu.memory_space<hbm>>
        %dma_start3A_649 = tpu.memref_slice %arg4[%mul3A_438] : memref<10240xi32, #tpu.memory_space<hbm>> -> memref<128xi32, #tpu.memory_space<hbm>>
        tpu.enqueue_dma source(%dma_start3A_649 : memref<128xi32, #tpu.memory_space<hbm>>) target(%arg9 : memref<128xi32, #tpu.memory_space<vmem>>) target_semaphore(%run_scoped3A : memref<!tpu.dma_semaphore, #tpu.memory_space<semaphore_mem>>)
        %dma_wait3A = tpu.memref_slice %arg4[%mul3A_438] : memref<10240xi32, #tpu.memory_space<hbm>> -> memref<128xi32, #tpu.memory_space<hbm>>
        %dma_wait3A_650 = tpu.memref_slice %arg4[%mul3A_438] : memref<10240xi32, #tpu.memory_space<hbm>> -> memref<128xi32, #tpu.memory_space<hbm>>
        tpu.wait_dma2 semaphore(%run_scoped3A : memref<!tpu.dma_semaphore, #tpu.memory_space<semaphore_mem>>) src(%dma_wait3A_650 : memref<128xi32, #tpu.memory_space<hbm>>) dst(%arg9 : memref<128xi32, #tpu.memory_space<vmem>>)
        tpu.yield
      }) : () -> ()
      %mul3A_439 = arith.constant 128 : i32
      %mul3A_440 = arith.muli %add3A_434, %mul3A_439 : i32
      "tpu.region"() ({
        %run_scoped3A = tpu.sem_alloc : memref<!tpu.dma_semaphore, #tpu.memory_space<semaphore_mem>>
        %dma_start3A = arith.constant 0 : i32
        %dma_start3A_649 = tpu.memref_slice %arg2[%mul3A_440, %dma_start3A] : memref<10000x128xf32, #tpu.memory_space<hbm>> -> memref<128x128xf32, #tpu.memory_space<hbm>>
        %dma_start3A_650 = arith.constant 0 : i32
        %dma_start3A_651 = tpu.memref_slice %arg2[%mul3A_440, %dma_start3A_650] : memref<10000x128xf32, #tpu.memory_space<hbm>> -> memref<128x128xf32, #tpu.memory_space<hbm>>
        tpu.enqueue_dma source(%dma_start3A_651 : memref<128x128xf32, #tpu.memory_space<hbm>>) target(%arg10 : memref<128x128xf32, #tpu.memory_space<vmem>>) target_semaphore(%run_scoped3A : memref<!tpu.dma_semaphore, #tpu.memory_space<semaphore_mem>>)
        %dma_wait3A = arith.constant 0 : i32
        %dma_wait3A_652 = tpu.memref_slice %arg2[%mul3A_440, %dma_wait3A] : memref<10000x128xf32, #tpu.memory_space<hbm>> -> memref<128x128xf32, #tpu.memory_space<hbm>>
        %dma_wait3A_653 = arith.constant 0 : i32
        %dma_wait3A_654 = tpu.memref_slice %arg2[%mul3A_440, %dma_wait3A_653] : memref<10000x128xf32, #tpu.memory_space<hbm>> -> memref<128x128xf32, #tpu.memory_space<hbm>>
        tpu.wait_dma2 semaphore(%run_scoped3A : memref<!tpu.dma_semaphore, #tpu.memory_space<semaphore_mem>>) src(%dma_wait3A_654 : memref<128x128xf32, #tpu.memory_space<hbm>>) dst(%arg10 : memref<128x128xf32, #tpu.memory_space<vmem>>)
        tpu.yield
      }) : () -> ()
      %mul3A_441 = arith.constant 128 : i32
      %mul3A_442 = arith.muli %add3A_434, %mul3A_441 : i32
      %add3A_443 = arith.constant 0 : i32
      %add3A_444 = arith.addi %mul3A_442, %add3A_443 : i32
      %iota3A_445 = tpu.iota {dimensions = array<i32: 0>} : vector<16xi32>
      %add3A_446 = vector.broadcast %add3A_444 : i32 to vector<16xi32>
      %add3A_447 = arith.addi %add3A_446, %iota3A_445 : vector<16xi32>
      %swap3A_448 = arith.constant 0 : index
      %swap3A_449 = tpu.vector_load %arg11[%swap3A_448] {strides = array<i32>} : memref<128xi32, #tpu.memory_space<vmem>>, vector<16xi32>,
      %swap3A_450 = vector.shape_cast %swap3A_449 : vector<16xi32> to vector<16xi32>
      %swap3A_451 = vector.shape_cast %add3A_447 : vector<16xi32> to vector<16xi32>
      tpu.vector_store %arg11[%swap3A_448], %swap3A_451 {strides = array<i32>} : memref<128xi32, #tpu.memory_space<vmem>>, vector<16xi32>,
      %get3A_452 = arith.constant 0 : index
      %get3A_453 = tpu.vector_load %arg8[%get3A_452] {strides = array<i32>} : memref<128xi32, #tpu.memory_space<vmem>>, vector<16xi32>,
      %get3A_454 = vector.shape_cast %get3A_453 : vector<16xi32> to vector<16xi32>
      %sub3A_455 = arith.constant 10239 : i32
      %sub3A_456 = vector.broadcast %sub3A_455 : i32 to vector<16xi32>
      %sub3A_457 = arith.subi %sub3A_456, %add3A_447 : vector<16xi32>
      %add3A_458 = arith.addi %get3A_454, %sub3A_457 : vector<16xi32>
      %get3A_459 = arith.constant 0 : index
      %get3A_460 = tpu.vector_load %arg9[%get3A_459] {strides = array<i32>} : memref<128xi32, #tpu.memory_space<vmem>>, vector<16xi32>,
      %get3A_461 = vector.shape_cast %get3A_460 : vector<16xi32> to vector<16xi32>
      %sub3A_462 = arith.subi %add3A_458, %get3A_461 : vector<16xi32>
      %swap3A_463 = arith.constant 0 : index
      %swap3A_464 = tpu.vector_load %arg7[%swap3A_463] {strides = array<i32>} : memref<128xi32, #tpu.memory_space<vmem>>, vector<16xi32>,
      %swap3A_465 = vector.shape_cast %swap3A_464 : vector<16xi32> to vector<16xi32>
      %swap3A_466 = vector.shape_cast %sub3A_462 : vector<16xi32> to vector<16xi32>
      tpu.vector_store %arg7[%swap3A_463], %swap3A_466 {strides = array<i32>} : memref<128xi32, #tpu.memory_space<vmem>>, vector<16xi32>,
      %mul3A_467 = arith.constant 128 : i32
      %mul3A_468 = arith.muli %add3A_434, %mul3A_467 : i32
      %add3A_469 = arith.constant 16 : i32
      %add3A_470 = arith.addi %mul3A_468, %add3A_469 : i32
      %iota3A_471 = tpu.iota {dimensions = array<i32: 0>} : vector<16xi32>
      %add3A_472 = vector.broadcast %add3A_470 : i32 to vector<16xi32>
      %add3A_473 = arith.addi %add3A_472, %iota3A_471 : vector<16xi32>
      %swap3A_474 = arith.constant 16 : index
      %swap3A_475 = tpu.vector_load %arg11[%swap3A_474] {strides = array<i32>} : memref<128xi32, #tpu.memory_space<vmem>>, vector<16xi32>,
      %swap3A_476 = vector.shape_cast %swap3A_475 : vector<16xi32> to vector<16xi32>
      %swap3A_477 = vector.shape_cast %add3A_473 : vector<16xi32> to vector<16xi32>
      tpu.vector_store %arg11[%swap3A_474], %swap3A_477 {strides = array<i32>} : memref<128xi32, #tpu.memory_space<vmem>>, vector<16xi32>,
      %get3A_478 = arith.constant 16 : index
      %get3A_479 = tpu.vector_load %arg8[%get3A_478] {strides = array<i32>} : memref<128xi32, #tpu.memory_space<vmem>>, vector<16xi32>,
      %get3A_480 = vector.shape_cast %get3A_479 : vector<16xi32> to vector<16xi32>
      %sub3A_481 = arith.constant 10239 : i32
      %sub3A_482 = vector.broadcast %sub3A_481 : i32 to vector<16xi32>
      %sub3A_483 = arith.subi %sub3A_482, %add3A_473 : vector<16xi32>
      %add3A_484 = arith.addi %get3A_480, %sub3A_483 : vector<16xi32>
      %get3A_485 = arith.constant 16 : index
      %get3A_486 = tpu.vector_load %arg9[%get3A_485] {strides = array<i32>} : memref<128xi32, #tpu.memory_space<vmem>>, vector<16xi32>,
      %get3A_487 = vector.shape_cast %get3A_486 : vector<16xi32> to vector<16xi32>
      %sub3A_488 = arith.subi %add3A_484, %get3A_487 : vector<16xi32>
      %swap3A_489 = arith.constant 16 : index
      %swap3A_490 = tpu.vector_load %arg7[%swap3A_489] {strides = array<i32>} : memref<128xi32, #tpu.memory_space<vmem>>, vector<16xi32>,
      %swap3A_491 = vector.shape_cast %swap3A_490 : vector<16xi32> to vector<16xi32>
      %swap3A_492 = vector.shape_cast %sub3A_488 : vector<16xi32> to vector<16xi32>
      tpu.vector_store %arg7[%swap3A_489], %swap3A_492 {strides = array<i32>} : memref<128xi32, #tpu.memory_space<vmem>>, vector<16xi32>,
      %mul3A_493 = arith.constant 128 : i32
      %mul3A_494 = arith.muli %add3A_434, %mul3A_493 : i32
      %add3A_495 = arith.constant 32 : i32
      %add3A_496 = arith.addi %mul3A_494, %add3A_495 : i32
      %iota3A_497 = tpu.iota {dimensions = array<i32: 0>} : vector<16xi32>
      %add3A_498 = vector.broadcast %add3A_496 : i32 to vector<16xi32>
      %add3A_499 = arith.addi %add3A_498, %iota3A_497 : vector<16xi32>
      %swap3A_500 = arith.constant 32 : index
      %swap3A_501 = tpu.vector_load %arg11[%swap3A_500] {strides = array<i32>} : memref<128xi32, #tpu.memory_space<vmem>>, vector<16xi32>,
      %swap3A_502 = vector.shape_cast %swap3A_501 : vector<16xi32> to vector<16xi32>
      %swap3A_503 = vector.shape_cast %add3A_499 : vector<16xi32> to vector<16xi32>
      tpu.vector_store %arg11[%swap3A_500], %swap3A_503 {strides = array<i32>} : memref<128xi32, #tpu.memory_space<vmem>>, vector<16xi32>,
      %get3A_504 = arith.constant 32 : index
      %get3A_505 = tpu.vector_load %arg8[%get3A_504] {strides = array<i32>} : memref<128xi32, #tpu.memory_space<vmem>>, vector<16xi32>,
      %get3A_506 = vector.shape_cast %get3A_505 : vector<16xi32> to vector<16xi32>
      %sub3A_507 = arith.constant 10239 : i32
      %sub3A_508 = vector.broadcast %sub3A_507 : i32 to vector<16xi32>
      %sub3A_509 = arith.subi %sub3A_508, %add3A_499 : vector<16xi32>
      %add3A_510 = arith.addi %get3A_506, %sub3A_509 : vector<16xi32>
      %get3A_511 = arith.constant 32 : index
      %get3A_512 = tpu.vector_load %arg9[%get3A_511] {strides = array<i32>} : memref<128xi32, #tpu.memory_space<vmem>>, vector<16xi32>,
      %get3A_513 = vector.shape_cast %get3A_512 : vector<16xi32> to vector<16xi32>
      %sub3A_514 = arith.subi %add3A_510, %get3A_513 : vector<16xi32>
      %swap3A_515 = arith.constant 32 : index
      %swap3A_516 = tpu.vector_load %arg7[%swap3A_515] {strides = array<i32>} : memref<128xi32, #tpu.memory_space<vmem>>, vector<16xi32>,
      %swap3A_517 = vector.shape_cast %swap3A_516 : vector<16xi32> to vector<16xi32>
      %swap3A_518 = vector.shape_cast %sub3A_514 : vector<16xi32> to vector<16xi32>
      tpu.vector_store %arg7[%swap3A_515], %swap3A_518 {strides = array<i32>} : memref<128xi32, #tpu.memory_space<vmem>>, vector<16xi32>,
      %mul3A_519 = arith.constant 128 : i32
      %mul3A_520 = arith.muli %add3A_434, %mul3A_519 : i32
      %add3A_521 = arith.constant 48 : i32
      %add3A_522 = arith.addi %mul3A_520, %add3A_521 : i32
      %iota3A_523 = tpu.iota {dimensions = array<i32: 0>} : vector<16xi32>
      %add3A_524 = vector.broadcast %add3A_522 : i32 to vector<16xi32>
      %add3A_525 = arith.addi %add3A_524, %iota3A_523 : vector<16xi32>
      %swap3A_526 = arith.constant 48 : index
      %swap3A_527 = tpu.vector_load %arg11[%swap3A_526] {strides = array<i32>} : memref<128xi32, #tpu.memory_space<vmem>>, vector<16xi32>,
      %swap3A_528 = vector.shape_cast %swap3A_527 : vector<16xi32> to vector<16xi32>
      %swap3A_529 = vector.shape_cast %add3A_525 : vector<16xi32> to vector<16xi32>
      tpu.vector_store %arg11[%swap3A_526], %swap3A_529 {strides = array<i32>} : memref<128xi32, #tpu.memory_space<vmem>>, vector<16xi32>,
      %get3A_530 = arith.constant 48 : index
      %get3A_531 = tpu.vector_load %arg8[%get3A_530] {strides = array<i32>} : memref<128xi32, #tpu.memory_space<vmem>>, vector<16xi32>,
      %get3A_532 = vector.shape_cast %get3A_531 : vector<16xi32> to vector<16xi32>
      %sub3A_533 = arith.constant 10239 : i32
      %sub3A_534 = vector.broadcast %sub3A_533 : i32 to vector<16xi32>
      %sub3A_535 = arith.subi %sub3A_534, %add3A_525 : vector<16xi32>
      %add3A_536 = arith.addi %get3A_532, %sub3A_535 : vector<16xi32>
      %get3A_537 = arith.constant 48 : index
      %get3A_538 = tpu.vector_load %arg9[%get3A_537] {strides = array<i32>} : memref<128xi32, #tpu.memory_space<vmem>>, vector<16xi32>,
      %get3A_539 = vector.shape_cast %get3A_538 : vector<16xi32> to vector<16xi32>
      %sub3A_540 = arith.subi %add3A_536, %get3A_539 : vector<16xi32>
      %swap3A_541 = arith.constant 48 : index
      %swap3A_542 = tpu.vector_load %arg7[%swap3A_541] {strides = array<i32>} : memref<128xi32, #tpu.memory_space<vmem>>, vector<16xi32>,
      %swap3A_543 = vector.shape_cast %swap3A_542 : vector<16xi32> to vector<16xi32>
      %swap3A_544 = vector.shape_cast %sub3A_540 : vector<16xi32> to vector<16xi32>
      tpu.vector_store %arg7[%swap3A_541], %swap3A_544 {strides = array<i32>} : memref<128xi32, #tpu.memory_space<vmem>>, vector<16xi32>,
      %mul3A_545 = arith.constant 128 : i32
      %mul3A_546 = arith.muli %add3A_434, %mul3A_545 : i32
      %add3A_547 = arith.constant 64 : i32
      %add3A_548 = arith.addi %mul3A_546, %add3A_547 : i32
      %iota3A_549 = tpu.iota {dimensions = array<i32: 0>} : vector<16xi32>
      %add3A_550 = vector.broadcast %add3A_548 : i32 to vector<16xi32>
      %add3A_551 = arith.addi %add3A_550, %iota3A_549 : vector<16xi32>
      %swap3A_552 = arith.constant 64 : index
      %swap3A_553 = tpu.vector_load %arg11[%swap3A_552] {strides = array<i32>} : memref<128xi32, #tpu.memory_space<vmem>>, vector<16xi32>,
      %swap3A_554 = vector.shape_cast %swap3A_553 : vector<16xi32> to vector<16xi32>
      %swap3A_555 = vector.shape_cast %add3A_551 : vector<16xi32> to vector<16xi32>
      tpu.vector_store %arg11[%swap3A_552], %swap3A_555 {strides = array<i32>} : memref<128xi32, #tpu.memory_space<vmem>>, vector<16xi32>,
      %get3A_556 = arith.constant 64 : index
      %get3A_557 = tpu.vector_load %arg8[%get3A_556] {strides = array<i32>} : memref<128xi32, #tpu.memory_space<vmem>>, vector<16xi32>,
      %get3A_558 = vector.shape_cast %get3A_557 : vector<16xi32> to vector<16xi32>
      %sub3A_559 = arith.constant 10239 : i32
      %sub3A_560 = vector.broadcast %sub3A_559 : i32 to vector<16xi32>
      %sub3A_561 = arith.subi %sub3A_560, %add3A_551 : vector<16xi32>
      %add3A_562 = arith.addi %get3A_558, %sub3A_561 : vector<16xi32>
      %get3A_563 = arith.constant 64 : index
      %get3A_564 = tpu.vector_load %arg9[%get3A_563] {strides = array<i32>} : memref<128xi32, #tpu.memory_space<vmem>>, vector<16xi32>,
      %get3A_565 = vector.shape_cast %get3A_564 : vector<16xi32> to vector<16xi32>
      %sub3A_566 = arith.subi %add3A_562, %get3A_565 : vector<16xi32>
      %swap3A_567 = arith.constant 64 : index
      %swap3A_568 = tpu.vector_load %arg7[%swap3A_567] {strides = array<i32>} : memref<128xi32, #tpu.memory_space<vmem>>, vector<16xi32>,
      %swap3A_569 = vector.shape_cast %swap3A_568 : vector<16xi32> to vector<16xi32>
      %swap3A_570 = vector.shape_cast %sub3A_566 : vector<16xi32> to vector<16xi32>
      tpu.vector_store %arg7[%swap3A_567], %swap3A_570 {strides = array<i32>} : memref<128xi32, #tpu.memory_space<vmem>>, vector<16xi32>,
      %mul3A_571 = arith.constant 128 : i32
      %mul3A_572 = arith.muli %add3A_434, %mul3A_571 : i32
      %add3A_573 = arith.constant 80 : i32
      %add3A_574 = arith.addi %mul3A_572, %add3A_573 : i32
      %iota3A_575 = tpu.iota {dimensions = array<i32: 0>} : vector<16xi32>
      %add3A_576 = vector.broadcast %add3A_574 : i32 to vector<16xi32>
      %add3A_577 = arith.addi %add3A_576, %iota3A_575 : vector<16xi32>
      %swap3A_578 = arith.constant 80 : index
      %swap3A_579 = tpu.vector_load %arg11[%swap3A_578] {strides = array<i32>} : memref<128xi32, #tpu.memory_space<vmem>>, vector<16xi32>,
      %swap3A_580 = vector.shape_cast %swap3A_579 : vector<16xi32> to vector<16xi32>
      %swap3A_581 = vector.shape_cast %add3A_577 : vector<16xi32> to vector<16xi32>
      tpu.vector_store %arg11[%swap3A_578], %swap3A_581 {strides = array<i32>} : memref<128xi32, #tpu.memory_space<vmem>>, vector<16xi32>,
      %get3A_582 = arith.constant 80 : index
      %get3A_583 = tpu.vector_load %arg8[%get3A_582] {strides = array<i32>} : memref<128xi32, #tpu.memory_space<vmem>>, vector<16xi32>,
      %get3A_584 = vector.shape_cast %get3A_583 : vector<16xi32> to vector<16xi32>
      %sub3A_585 = arith.constant 10239 : i32
      %sub3A_586 = vector.broadcast %sub3A_585 : i32 to vector<16xi32>
      %sub3A_587 = arith.subi %sub3A_586, %add3A_577 : vector<16xi32>
      %add3A_588 = arith.addi %get3A_584, %sub3A_587 : vector<16xi32>
      %get3A_589 = arith.constant 80 : index
      %get3A_590 = tpu.vector_load %arg9[%get3A_589] {strides = array<i32>} : memref<128xi32, #tpu.memory_space<vmem>>, vector<16xi32>,
      %get3A_591 = vector.shape_cast %get3A_590 : vector<16xi32> to vector<16xi32>
      %sub3A_592 = arith.subi %add3A_588, %get3A_591 : vector<16xi32>
      %swap3A_593 = arith.constant 80 : index
      %swap3A_594 = tpu.vector_load %arg7[%swap3A_593] {strides = array<i32>} : memref<128xi32, #tpu.memory_space<vmem>>, vector<16xi32>,
      %swap3A_595 = vector.shape_cast %swap3A_594 : vector<16xi32> to vector<16xi32>
      %swap3A_596 = vector.shape_cast %sub3A_592 : vector<16xi32> to vector<16xi32>
      tpu.vector_store %arg7[%swap3A_593], %swap3A_596 {strides = array<i32>} : memref<128xi32, #tpu.memory_space<vmem>>, vector<16xi32>,
      %mul3A_597 = arith.constant 128 : i32
      %mul3A_598 = arith.muli %add3A_434, %mul3A_597 : i32
      %add3A_599 = arith.constant 96 : i32
      %add3A_600 = arith.addi %mul3A_598, %add3A_599 : i32
      %iota3A_601 = tpu.iota {dimensions = array<i32: 0>} : vector<16xi32>
      %add3A_602 = vector.broadcast %add3A_600 : i32 to vector<16xi32>
      %add3A_603 = arith.addi %add3A_602, %iota3A_601 : vector<16xi32>
      %swap3A_604 = arith.constant 96 : index
      %swap3A_605 = tpu.vector_load %arg11[%swap3A_604] {strides = array<i32>} : memref<128xi32, #tpu.memory_space<vmem>>, vector<16xi32>,
      %swap3A_606 = vector.shape_cast %swap3A_605 : vector<16xi32> to vector<16xi32>
      %swap3A_607 = vector.shape_cast %add3A_603 : vector<16xi32> to vector<16xi32>
      tpu.vector_store %arg11[%swap3A_604], %swap3A_607 {strides = array<i32>} : memref<128xi32, #tpu.memory_space<vmem>>, vector<16xi32>,
      %get3A_608 = arith.constant 96 : index
      %get3A_609 = tpu.vector_load %arg8[%get3A_608] {strides = array<i32>} : memref<128xi32, #tpu.memory_space<vmem>>, vector<16xi32>,
      %get3A_610 = vector.shape_cast %get3A_609 : vector<16xi32> to vector<16xi32>
      %sub3A_611 = arith.constant 10239 : i32
      %sub3A_612 = vector.broadcast %sub3A_611 : i32 to vector<16xi32>
      %sub3A_613 = arith.subi %sub3A_612, %add3A_603 : vector<16xi32>
      %add3A_614 = arith.addi %get3A_610, %sub3A_613 : vector<16xi32>
      %get3A_615 = arith.constant 96 : index
      %get3A_616 = tpu.vector_load %arg9[%get3A_615] {strides = array<i32>} : memref<128xi32, #tpu.memory_space<vmem>>, vector<16xi32>,
      %get3A_617 = vector.shape_cast %get3A_616 : vector<16xi32> to vector<16xi32>
      %sub3A_618 = arith.subi %add3A_614, %get3A_617 : vector<16xi32>
      %swap3A_619 = arith.constant 96 : index
      %swap3A_620 = tpu.vector_load %arg7[%swap3A_619] {strides = array<i32>} : memref<128xi32, #tpu.memory_space<vmem>>, vector<16xi32>,
      %swap3A_621 = vector.shape_cast %swap3A_620 : vector<16xi32> to vector<16xi32>
      %swap3A_622 = vector.shape_cast %sub3A_618 : vector<16xi32> to vector<16xi32>
      tpu.vector_store %arg7[%swap3A_619], %swap3A_622 {strides = array<i32>} : memref<128xi32, #tpu.memory_space<vmem>>, vector<16xi32>,
      %mul3A_623 = arith.constant 128 : i32
      %mul3A_624 = arith.muli %add3A_434, %mul3A_623 : i32
      %add3A_625 = arith.constant 112 : i32
      %add3A_626 = arith.addi %mul3A_624, %add3A_625 : i32
      %iota3A_627 = tpu.iota {dimensions = array<i32: 0>} : vector<16xi32>
      %add3A_628 = vector.broadcast %add3A_626 : i32 to vector<16xi32>
      %add3A_629 = arith.addi %add3A_628, %iota3A_627 : vector<16xi32>
      %swap3A_630 = arith.constant 112 : index
      %swap3A_631 = tpu.vector_load %arg11[%swap3A_630] {strides = array<i32>} : memref<128xi32, #tpu.memory_space<vmem>>, vector<16xi32>,
      %swap3A_632 = vector.shape_cast %swap3A_631 : vector<16xi32> to vector<16xi32>
      %swap3A_633 = vector.shape_cast %add3A_629 : vector<16xi32> to vector<16xi32>
      tpu.vector_store %arg11[%swap3A_630], %swap3A_633 {strides = array<i32>} : memref<128xi32, #tpu.memory_space<vmem>>, vector<16xi32>,
      %get3A_634 = arith.constant 112 : index
      %get3A_635 = tpu.vector_load %arg8[%get3A_634] {strides = array<i32>} : memref<128xi32, #tpu.memory_space<vmem>>, vector<16xi32>,
      %get3A_636 = vector.shape_cast %get3A_635 : vector<16xi32> to vector<16xi32>
      %sub3A_637 = arith.constant 10239 : i32
      %sub3A_638 = vector.broadcast %sub3A_637 : i32 to vector<16xi32>
      %sub3A_639 = arith.subi %sub3A_638, %add3A_629 : vector<16xi32>
      %add3A_640 = arith.addi %get3A_636, %sub3A_639 : vector<16xi32>
      %get3A_641 = arith.constant 112 : index
      %get3A_642 = tpu.vector_load %arg9[%get3A_641] {strides = array<i32>} : memref<128xi32, #tpu.memory_space<vmem>>, vector<16xi32>,
      %get3A_643 = vector.shape_cast %get3A_642 : vector<16xi32> to vector<16xi32>
      %sub3A_644 = arith.subi %add3A_640, %get3A_643 : vector<16xi32>
      %swap3A_645 = arith.constant 112 : index
      %swap3A_646 = tpu.vector_load %arg7[%swap3A_645] {strides = array<i32>} : memref<128xi32, #tpu.memory_space<vmem>>, vector<16xi32>,
      %swap3A_647 = vector.shape_cast %swap3A_646 : vector<16xi32> to vector<16xi32>
      %swap3A_648 = vector.shape_cast %sub3A_644 : vector<16xi32> to vector<16xi32>
      tpu.vector_store %arg7[%swap3A_645], %swap3A_648 {strides = array<i32>} : memref<128xi32, #tpu.memory_space<vmem>>, vector<16xi32>,
      "tpu.region"() ({
        %run_scoped3A = tpu.sem_alloc : memref<!tpu.dma_semaphore, #tpu.memory_space<semaphore_mem>>
        %dma_start3A = arith.constant 0 : i32
        %dma_start3A_649 = arith.constant 0 : i32
        %dma_start3A_650 = tpu.memref_slice %arg5[%dma_start3A, %dma_start3A_649] : memref<10000x128xf32, #tpu.memory_space<hbm>> -> memref<10000x128xf32, #tpu.memory_space<hbm>>
        tpu.enqueue_indirect_dma source(%arg10 : memref<128x128xf32, #tpu.memory_space<vmem>>) target(%dma_start3A_650 : memref<10000x128xf32, #tpu.memory_space<hbm>>) offsets(%arg7 : memref<128xi32, #tpu.memory_space<vmem>>) semaphore(%run_scoped3A : memref<!tpu.dma_semaphore, #tpu.memory_space<semaphore_mem>>)
        %dma_wait3A = arith.constant 0 : i32
        %dma_wait3A_651 = arith.constant 0 : i32
        %dma_wait3A_652 = tpu.memref_slice %arg5[%dma_wait3A, %dma_wait3A_651] : memref<10000x128xf32, #tpu.memory_space<hbm>> -> memref<10000x128xf32, #tpu.memory_space<hbm>>
        tpu.wait_indirect_dma semaphore(%run_scoped3A : memref<!tpu.dma_semaphore, #tpu.memory_space<semaphore_mem>>) src(%arg10 : memref<128x128xf32, #tpu.memory_space<vmem>>) dst(%dma_wait3A_652 : memref<10000x128xf32, #tpu.memory_space<hbm>>)
        tpu.yield
      }) : () -> ()
      "tpu.region"() ({
        %run_scoped3A = tpu.sem_alloc : memref<!tpu.dma_semaphore, #tpu.memory_space<semaphore_mem>>
        %dma_start3A = arith.constant 0 : i32
        %dma_start3A_649 = tpu.memref_slice %arg6[%dma_start3A] : memref<10000xi32, #tpu.memory_space<hbm>> -> memref<10000xi32, #tpu.memory_space<hbm>>
        tpu.enqueue_indirect_dma source(%arg11 : memref<128xi32, #tpu.memory_space<vmem>>) target(%dma_start3A_649 : memref<10000xi32, #tpu.memory_space<hbm>>) offsets(%arg7 : memref<128xi32, #tpu.memory_space<vmem>>) semaphore(%run_scoped3A : memref<!tpu.dma_semaphore, #tpu.memory_space<semaphore_mem>>)
        %dma_wait3A = arith.constant 0 : i32
        %dma_wait3A_650 = tpu.memref_slice %arg6[%dma_wait3A] : memref<10000xi32, #tpu.memory_space<hbm>> -> memref<10000xi32, #tpu.memory_space<hbm>>
        tpu.wait_indirect_dma semaphore(%run_scoped3A : memref<!tpu.dma_semaphore, #tpu.memory_space<semaphore_mem>>) src(%arg11 : memref<128xi32, #tpu.memory_space<vmem>>) dst(%dma_wait3A_650 : memref<10000xi32, #tpu.memory_space<hbm>>)
        tpu.yield
      }) : () -> ()
    } else {
    }
    %eq3A = arith.constant 14 : i32
    %eq3A_429 = arith.cmpi eq, %add3A, %eq3A : i32
    %convert_element_type3A_430 = arith.extui %eq3A_429 : i1 to i32
    %cond3A_431 = arith.constant 0 : i32
    %cond3A_432 = arith.cmpi ne, %convert_element_type3A_430, %cond3A_431 : i32
    scf.if %cond3A_432 {
      "tpu.region"() ({
        %run_scoped3A = tpu.sem_alloc : memref<!tpu.dma_semaphore, #tpu.memory_space<semaphore_mem>>
        %dma_start3A = arith.constant 9984 : i32
        %dma_start3A_456 = tpu.memref_slice %arg3[%dma_start3A] : memref<10240xi32, #tpu.memory_space<hbm>> -> memref<16xi32, #tpu.memory_space<hbm>>
        %dma_start3A_457 = arith.constant 9984 : i32
        %dma_start3A_458 = tpu.memref_slice %arg3[%dma_start3A_457] : memref<10240xi32, #tpu.memory_space<hbm>> -> memref<16xi32, #tpu.memory_space<hbm>>
        tpu.enqueue_dma source(%dma_start3A_458 : memref<16xi32, #tpu.memory_space<hbm>>) target(%arg13 : memref<16xi32, #tpu.memory_space<vmem>>) target_semaphore(%run_scoped3A : memref<!tpu.dma_semaphore, #tpu.memory_space<semaphore_mem>>)
        %dma_wait3A = arith.constant 9984 : i32
        %dma_wait3A_459 = tpu.memref_slice %arg3[%dma_wait3A] : memref<10240xi32, #tpu.memory_space<hbm>> -> memref<16xi32, #tpu.memory_space<hbm>>
        %dma_wait3A_460 = arith.constant 9984 : i32
        %dma_wait3A_461 = tpu.memref_slice %arg3[%dma_wait3A_460] : memref<10240xi32, #tpu.memory_space<hbm>> -> memref<16xi32, #tpu.memory_space<hbm>>
        tpu.wait_dma2 semaphore(%run_scoped3A : memref<!tpu.dma_semaphore, #tpu.memory_space<semaphore_mem>>) src(%dma_wait3A_461 : memref<16xi32, #tpu.memory_space<hbm>>) dst(%arg13 : memref<16xi32, #tpu.memory_space<vmem>>)
        tpu.yield
      }) : () -> ()
      "tpu.region"() ({
        %run_scoped3A = tpu.sem_alloc : memref<!tpu.dma_semaphore, #tpu.memory_space<semaphore_mem>>
        %dma_start3A = arith.constant 9984 : i32
        %dma_start3A_456 = tpu.memref_slice %arg4[%dma_start3A] : memref<10240xi32, #tpu.memory_space<hbm>> -> memref<16xi32, #tpu.memory_space<hbm>>
        %dma_start3A_457 = arith.constant 9984 : i32
        %dma_start3A_458 = tpu.memref_slice %arg4[%dma_start3A_457] : memref<10240xi32, #tpu.memory_space<hbm>> -> memref<16xi32, #tpu.memory_space<hbm>>
        tpu.enqueue_dma source(%dma_start3A_458 : memref<16xi32, #tpu.memory_space<hbm>>) target(%arg14 : memref<16xi32, #tpu.memory_space<vmem>>) target_semaphore(%run_scoped3A : memref<!tpu.dma_semaphore, #tpu.memory_space<semaphore_mem>>)
        %dma_wait3A = arith.constant 9984 : i32
        %dma_wait3A_459 = tpu.memref_slice %arg4[%dma_wait3A] : memref<10240xi32, #tpu.memory_space<hbm>> -> memref<16xi32, #tpu.memory_space<hbm>>
        %dma_wait3A_460 = arith.constant 9984 : i32
        %dma_wait3A_461 = tpu.memref_slice %arg4[%dma_wait3A_460] : memref<10240xi32, #tpu.memory_space<hbm>> -> memref<16xi32, #tpu.memory_space<hbm>>
        tpu.wait_dma2 semaphore(%run_scoped3A : memref<!tpu.dma_semaphore, #tpu.memory_space<semaphore_mem>>) src(%dma_wait3A_461 : memref<16xi32, #tpu.memory_space<hbm>>) dst(%arg14 : memref<16xi32, #tpu.memory_space<vmem>>)
        tpu.yield
      }) : () -> ()
      "tpu.region"() ({
        %run_scoped3A = tpu.sem_alloc : memref<!tpu.dma_semaphore, #tpu.memory_space<semaphore_mem>>
        %dma_start3A = arith.constant 9984 : i32
        %dma_start3A_456 = arith.constant 0 : i32
        %dma_start3A_457 = tpu.memref_slice %arg2[%dma_start3A, %dma_start3A_456] : memref<10000x128xf32, #tpu.memory_space<hbm>> -> memref<16x128xf32, #tpu.memory_space<hbm>>
        %dma_start3A_458 = arith.constant 9984 : i32
        %dma_start3A_459 = arith.constant 0 : i32
        %dma_start3A_460 = tpu.memref_slice %arg2[%dma_start3A_458, %dma_start3A_459] : memref<10000x128xf32, #tpu.memory_space<hbm>> -> memref<16x128xf32, #tpu.memory_space<hbm>>
        tpu.enqueue_dma source(%dma_start3A_460 : memref<16x128xf32, #tpu.memory_space<hbm>>) target(%arg15 : memref<16x128xf32, #tpu.memory_space<vmem>>) target_semaphore(%run_scoped3A : memref<!tpu.dma_semaphore, #tpu.memory_space<semaphore_mem>>)
        %dma_wait3A = arith.constant 9984 : i32
        %dma_wait3A_461 = arith.constant 0 : i32
        %dma_wait3A_462 = tpu.memref_slice %arg2[%dma_wait3A, %dma_wait3A_461] : memref<10000x128xf32, #tpu.memory_space<hbm>> -> memref<16x128xf32, #tpu.memory_space<hbm>>
        %dma_wait3A_463 = arith.constant 9984 : i32
        %dma_wait3A_464 = arith.constant 0 : i32
        %dma_wait3A_465 = tpu.memref_slice %arg2[%dma_wait3A_463, %dma_wait3A_464] : memref<10000x128xf32, #tpu.memory_space<hbm>> -> memref<16x128xf32, #tpu.memory_space<hbm>>
        tpu.wait_dma2 semaphore(%run_scoped3A : memref<!tpu.dma_semaphore, #tpu.memory_space<semaphore_mem>>) src(%dma_wait3A_465 : memref<16x128xf32, #tpu.memory_space<hbm>>) dst(%arg15 : memref<16x128xf32, #tpu.memory_space<vmem>>)
        tpu.yield
      }) : () -> ()
      %iota3A_433 = tpu.iota {dimensions = array<i32: 0>} : vector<16xi32>
      %add3A_434 = arith.constant 9984 : i32
      %add3A_435 = vector.broadcast %add3A_434 : i32 to vector<16xi32>
      %add3A_436 = arith.addi %add3A_435, %iota3A_433 : vector<16xi32>
      %swap3A_437 = arith.constant 0 : index
      %swap3A_438 = tpu.vector_load %arg16[%swap3A_437] {strides = array<i32>} : memref<16xi32, #tpu.memory_space<vmem>>, vector<16xi32>,
      %swap3A_439 = vector.shape_cast %swap3A_438 : vector<16xi32> to vector<16xi32>
      %swap3A_440 = vector.shape_cast %add3A_436 : vector<16xi32> to vector<16xi32>
      tpu.vector_store %arg16[%swap3A_437], %swap3A_440 {strides = array<i32>} : memref<16xi32, #tpu.memory_space<vmem>>, vector<16xi32>,
      %get3A_441 = arith.constant 0 : index
      %get3A_442 = tpu.vector_load %arg13[%get3A_441] {strides = array<i32>} : memref<16xi32, #tpu.memory_space<vmem>>, vector<16xi32>,
      %get3A_443 = vector.shape_cast %get3A_442 : vector<16xi32> to vector<16xi32>
      %sub3A_444 = arith.constant 10239 : i32
      %sub3A_445 = vector.broadcast %sub3A_444 : i32 to vector<16xi32>
      %sub3A_446 = arith.subi %sub3A_445, %add3A_436 : vector<16xi32>
      %add3A_447 = arith.addi %get3A_443, %sub3A_446 : vector<16xi32>
      %get3A_448 = arith.constant 0 : index
      %get3A_449 = tpu.vector_load %arg14[%get3A_448] {strides = array<i32>} : memref<16xi32, #tpu.memory_space<vmem>>, vector<16xi32>,
      %get3A_450 = vector.shape_cast %get3A_449 : vector<16xi32> to vector<16xi32>
      %sub3A_451 = arith.subi %add3A_447, %get3A_450 : vector<16xi32>
      %swap3A_452 = arith.constant 0 : index
      %swap3A_453 = tpu.vector_load %arg12[%swap3A_452] {strides = array<i32>} : memref<16xi32, #tpu.memory_space<vmem>>, vector<16xi32>,
      %swap3A_454 = vector.shape_cast %swap3A_453 : vector<16xi32> to vector<16xi32>
      %swap3A_455 = vector.shape_cast %sub3A_451 : vector<16xi32> to vector<16xi32>
      tpu.vector_store %arg12[%swap3A_452], %swap3A_455 {strides = array<i32>} : memref<16xi32, #tpu.memory_space<vmem>>, vector<16xi32>,
      "tpu.region"() ({
        %run_scoped3A = tpu.sem_alloc : memref<!tpu.dma_semaphore, #tpu.memory_space<semaphore_mem>>
        %dma_start3A = arith.constant 0 : i32
        %dma_start3A_456 = arith.constant 0 : i32
        %dma_start3A_457 = tpu.memref_slice %arg5[%dma_start3A, %dma_start3A_456] : memref<10000x128xf32, #tpu.memory_space<hbm>> -> memref<10000x128xf32, #tpu.memory_space<hbm>>
        tpu.enqueue_indirect_dma source(%arg15 : memref<16x128xf32, #tpu.memory_space<vmem>>) target(%dma_start3A_457 : memref<10000x128xf32, #tpu.memory_space<hbm>>) offsets(%arg12 : memref<16xi32, #tpu.memory_space<vmem>>) semaphore(%run_scoped3A : memref<!tpu.dma_semaphore, #tpu.memory_space<semaphore_mem>>)
        %dma_wait3A = arith.constant 0 : i32
        %dma_wait3A_458 = arith.constant 0 : i32
        %dma_wait3A_459 = tpu.memref_slice %arg5[%dma_wait3A, %dma_wait3A_458] : memref<10000x128xf32, #tpu.memory_space<hbm>> -> memref<10000x128xf32, #tpu.memory_space<hbm>>
        tpu.wait_indirect_dma semaphore(%run_scoped3A : memref<!tpu.dma_semaphore, #tpu.memory_space<semaphore_mem>>) src(%arg15 : memref<16x128xf32, #tpu.memory_space<vmem>>) dst(%dma_wait3A_459 : memref<10000x128xf32, #tpu.memory_space<hbm>>)
        tpu.yield
      }) : () -> ()
      "tpu.region"() ({
        %run_scoped3A = tpu.sem_alloc : memref<!tpu.dma_semaphore, #tpu.memory_space<semaphore_mem>>
        %dma_start3A = arith.constant 0 : i32
        %dma_start3A_456 = tpu.memref_slice %arg6[%dma_start3A] : memref<10000xi32, #tpu.memory_space<hbm>> -> memref<10000xi32, #tpu.memory_space<hbm>>
        tpu.enqueue_indirect_dma source(%arg16 : memref<16xi32, #tpu.memory_space<vmem>>) target(%dma_start3A_456 : memref<10000xi32, #tpu.memory_space<hbm>>) offsets(%arg12 : memref<16xi32, #tpu.memory_space<vmem>>) semaphore(%run_scoped3A : memref<!tpu.dma_semaphore, #tpu.memory_space<semaphore_mem>>)
        %dma_wait3A = arith.constant 0 : i32
        %dma_wait3A_457 = tpu.memref_slice %arg6[%dma_wait3A] : memref<10000xi32, #tpu.memory_space<hbm>> -> memref<10000xi32, #tpu.memory_space<hbm>>
        tpu.wait_indirect_dma semaphore(%run_scoped3A : memref<!tpu.dma_semaphore, #tpu.memory_space<semaphore_mem>>) src(%arg16 : memref<16xi32, #tpu.memory_space<vmem>>) dst(%dma_wait3A_457 : memref<10000xi32, #tpu.memory_space<hbm>>)
        tpu.yield
      }) : () -> ()
    } else {
    }
    return
  }
}

module attributes {stable_mosaic.version = 14 : i64} {
  func.func @_rank_body(%arg0: i32, %arg1: memref<10x1024xf32, #tpu.memory_space<vmem>>, %arg2: memref<10x1024xf32, #tpu.memory_space<vmem>>, %arg3: memref<10x1024xf32, #tpu.memory_space<vmem>>, %arg4: memref<256x2xf32, #tpu.memory_space<vmem>>, %arg5: memref<256x1xf32, #tpu.memory_space<vmem>>, %arg6: memref<256x1xi32, #tpu.memory_space<vmem>>, %arg7: memref<10x1024xi32, #tpu.memory_space<vmem>>, %arg8: memref<10x1024xf32, #tpu.memory_space<vmem>>) attributes {dimension_semantics = [#tpu.dimension_semantics<arbitrary>], iteration_bounds = array<i64: 40>, scalar_prefetch = 0 : i64, scratch_operands = 1 : i64, tpu.core_type = #tpu.core_type<tc>, window_params = [{pipeline_mode = #tpu.pipeline_mode<synchronous>, transform_indices = @transform_0, window_bounds = array<i64: 10, 1024>}, {pipeline_mode = #tpu.pipeline_mode<synchronous>, transform_indices = @transform_1, window_bounds = array<i64: 10, 1024>}, {pipeline_mode = #tpu.pipeline_mode<synchronous>, transform_indices = @transform_2, window_bounds = array<i64: 10, 1024>}, {transform_indices = @transform_3, window_bounds = array<i64: 256, 2>}, {transform_indices = @transform_4, window_bounds = array<i64: 256, 1>}, {transform_indices = @transform_5, window_bounds = array<i64: 256, 1>}, {pipeline_mode = #tpu.pipeline_mode<synchronous>, transform_indices = @transform_6, window_bounds = array<i64: 10, 1024>}]} {
    %eq3A = arith.constant 0 : i32
    %eq3A_0 = arith.cmpi eq, %arg0, %eq3A : i32
    %convert_element_type3A = arith.extui %eq3A_0 : i1 to i32
    %cond3A = arith.constant 0 : i32
    %cond3A_1 = arith.cmpi ne, %convert_element_type3A, %cond3A : i32
    scf.if %cond3A_1 {
      %broadcast_in_dim3A_102 = arith.constant 0.000000e+00 : f32
      %broadcast_in_dim3A_103 = vector.broadcast %broadcast_in_dim3A_102 : f32 to vector<10x1024xf32>
      %swap3A_104 = arith.constant 0 : index
      %swap3A_105 = arith.constant 0 : index
      %swap3A_106 = vector.load %arg8[%swap3A_104, %swap3A_105] : memref<10x1024xf32, #tpu.memory_space<vmem>>, vector<10x1024xf32>
      tpu.vector_store %arg8[%swap3A_104, %swap3A_105], %broadcast_in_dim3A_103 {strides = array<i32>} : memref<10x1024xf32, #tpu.memory_space<vmem>>, vector<10x1024xf32>,
    } else {
    }
    %get3A = arith.constant 0 : index
    %get3A_2 = arith.constant 0 : index
    %get3A_3 = vector.load %arg4[%get3A, %get3A_2] : memref<256x2xf32, #tpu.memory_space<vmem>>, vector<256x1xf32>
    %get3A_4 = arith.constant 0 : index
    %get3A_5 = arith.constant 1 : index
    %get3A_6 = vector.load %arg4[%get3A_4, %get3A_5] : memref<256x2xf32, #tpu.memory_space<vmem>>, vector<256x1xf32>
    %add3A = arith.addf %get3A_3, %get3A_6 : vector<256x1xf32>
    %get3A_7 = arith.constant 0 : index
    %get3A_8 = arith.constant 0 : index
    %get3A_9 = vector.load %arg5[%get3A_7, %get3A_8] : memref<256x1xf32, #tpu.memory_space<vmem>>, vector<256x1xf32>
    %add3A_10 = arith.addf %add3A, %get3A_9 : vector<256x1xf32>
    %mul3A = arith.constant 256 : i32
    %mul3A_11 = arith.muli %arg0, %mul3A : i32
    %iota3A = tpu.iota {dimensions = array<i32: 0>} : vector<256x1xi32>
    %add3A_12 = vector.broadcast %mul3A_11 : i32 to vector<256x1xi32>
    %add3A_13 = arith.addi %add3A_12, %iota3A : vector<256x1xi32>
    %jit3A = arith.constant 4 : i32
    %div3A = arith.divsi %arg0, %jit3A : i32
    %sign3A = arith.constant 0 : i32
    %sign3A_14 = arith.cmpi sgt, %arg0, %sign3A : i32
    %sign3A_15 = arith.extui %sign3A_14 : i1 to i32
    %sign3A_16 = arith.constant 0 : i32
    %sign3A_17 = arith.cmpi slt, %arg0, %sign3A_16 : i32
    %sign3A_18 = arith.extui %sign3A_17 : i1 to i32
    %sign3A_19 = arith.subi %sign3A_15, %sign3A_18 : i32
    %sign3A_20 = arith.constant 0 : i32
    %sign3A_21 = arith.cmpi sgt, %jit3A, %sign3A_20 : i32
    %sign3A_22 = arith.extui %sign3A_21 : i1 to i32
    %sign3A_23 = arith.constant 0 : i32
    %sign3A_24 = arith.cmpi slt, %jit3A, %sign3A_23 : i32
    %sign3A_25 = arith.extui %sign3A_24 : i1 to i32
    %sign3A_26 = arith.subi %sign3A_22, %sign3A_25 : i32
    %ne3A = arith.cmpi ne, %sign3A_19, %sign3A_26 : i32
    %rem3A = arith.remsi %arg0, %jit3A : i32
    %ne3A_27 = arith.constant 0 : i32
    %ne3A_28 = arith.cmpi ne, %rem3A, %ne3A_27 : i32
    %and3A = arith.andi %ne3A, %ne3A_28 : i1
    %sub3A = arith.constant 1 : i32
    %sub3A_29 = arith.subi %div3A, %sub3A : i32
    %select_n3A = arith.select %and3A, %sub3A_29, %div3A : i32
    %broadcast_in_dim3A = arith.constant 0.000000e+00 : f32
    %broadcast_in_dim3A_30 = vector.broadcast %broadcast_in_dim3A : f32 to vector<256x128xf32>
    %while3A = arith.constant 0 : i32
    %while3A_31 = arith.subi %select_n3A, %while3A : i32
    %while3A_32 = arith.addi %while3A, %while3A_31 : i32
    %while3A_33 = arith.constant 1 : i32
    %while3A_34 = arith.divsi %while3A_31, %while3A_33 : i32
    %while3A_35 = arith.muli %while3A_34, %while3A_33 : i32
    %while3A_36 = arith.addi %while3A, %while3A_35 : i32
    %while3A_37 = arith.constant 1 : i32
    %while3A_38 = scf.for %while3A_102 = %while3A to %while3A_36 step %while3A_37 iter_args(%while3A_103 = %broadcast_in_dim3A_30) -> (vector<256x128xf32>)  : i32 {
      %get3A_104 = arith.index_cast %while3A_102 : i32 to index
      %get3A_105 = arith.constant 0 : index
      %get3A_106 = vector.load %arg1[%get3A_104, %get3A_105] : memref<10x1024xf32, #tpu.memory_space<vmem>>, vector<1x1024xf32>
      %get3A_107 = arith.index_cast %while3A_102 : i32 to index
      %get3A_108 = arith.constant 0 : index
      %get3A_109 = vector.load %arg2[%get3A_107, %get3A_108] : memref<10x1024xf32, #tpu.memory_space<vmem>>, vector<1x1024xf32>
      %add3A_110 = arith.addf %get3A_106, %get3A_109 : vector<1x1024xf32>
      %get3A_111 = arith.index_cast %while3A_102 : i32 to index
      %get3A_112 = arith.constant 0 : index
      %get3A_113 = vector.load %arg3[%get3A_111, %get3A_112] : memref<10x1024xf32, #tpu.memory_space<vmem>>, vector<1x1024xf32>
      %add3A_114 = arith.addf %add3A_110, %get3A_113 : vector<1x1024xf32>
      %le3A_115 = vector.broadcast %add3A_114 : vector<1x1024xf32> to vector<256x1024xf32>
      %le3A_116 = vector.broadcast %add3A_10 : vector<256x1xf32> to vector<256x1024xf32>
      %le3A_117 = arith.cmpf ole, %le3A_115, %le3A_116 : vector<256x1024xf32>
      %jit3A_118 = arith.constant 1.000000e+00 : f32
      %jit3A_119 = arith.constant 0.000000e+00 : f32
      %broadcast_in_dim3A_120 = vector.broadcast %jit3A_118 : f32 to vector<256x1024xf32>
      %broadcast_in_dim3A_121 = vector.broadcast %jit3A_119 : f32 to vector<256x1024xf32>
      %select_n3A_122 = arith.select %le3A_117, %broadcast_in_dim3A_120, %broadcast_in_dim3A_121 : vector<256x1024xi1>, vector<256x1024xf32>
      %get3A_123 = arith.index_cast %while3A_102 : i32 to index
      %get3A_124 = arith.constant 0 : index
      %get3A_125 = vector.load %arg8[%get3A_123, %get3A_124] : memref<10x1024xf32, #tpu.memory_space<vmem>>, vector<1x1024xf32>
      %reduce_sum3A_126 = arith.constant dense<0.000000e+00> : vector<1024xf32>
      %reduce_sum3A_127 = vector.multi_reduction <add>, %select_n3A_122, %reduce_sum3A_126 [0] : vector<256x1024xf32> to vector<1024xf32>
      %broadcast_in_dim3A_128 = vector.shape_cast %reduce_sum3A_127 : vector<1024xf32> to vector<1x1024xf32>
      %add3A_129 = arith.addf %get3A_125, %broadcast_in_dim3A_128 : vector<1x1024xf32>
      %swap3A_130 = arith.index_cast %while3A_102 : i32 to index
      %swap3A_131 = arith.constant 0 : index
      %swap3A_132 = vector.load %arg8[%swap3A_130, %swap3A_131] : memref<10x1024xf32, #tpu.memory_space<vmem>>, vector<1x1024xf32>
      tpu.vector_store %arg8[%swap3A_130, %swap3A_131], %add3A_129 {strides = array<i32>} : memref<10x1024xf32, #tpu.memory_space<vmem>>, vector<1x1024xf32>,
      %slice3A_133 = vector.extract_strided_slice %select_n3A_122 {offsets = [0, 0], sizes = [256, 128], strides = [1, 1]} : vector<256x1024xf32> to vector<256x128xf32>
      %add3A_134 = arith.addf %while3A_103, %slice3A_133 : vector<256x128xf32>
      %slice3A_135 = vector.extract_strided_slice %select_n3A_122 {offsets = [0, 128], sizes = [256, 128], strides = [1, 1]} : vector<256x1024xf32> to vector<256x128xf32>
      %add3A_136 = arith.addf %add3A_134, %slice3A_135 : vector<256x128xf32>
      %slice3A_137 = vector.extract_strided_slice %select_n3A_122 {offsets = [0, 256], sizes = [256, 128], strides = [1, 1]} : vector<256x1024xf32> to vector<256x128xf32>
      %add3A_138 = arith.addf %add3A_136, %slice3A_137 : vector<256x128xf32>
      %slice3A_139 = vector.extract_strided_slice %select_n3A_122 {offsets = [0, 384], sizes = [256, 128], strides = [1, 1]} : vector<256x1024xf32> to vector<256x128xf32>
      %add3A_140 = arith.addf %add3A_138, %slice3A_139 : vector<256x128xf32>
      %slice3A_141 = vector.extract_strided_slice %select_n3A_122 {offsets = [0, 512], sizes = [256, 128], strides = [1, 1]} : vector<256x1024xf32> to vector<256x128xf32>
      %add3A_142 = arith.addf %add3A_140, %slice3A_141 : vector<256x128xf32>
      %slice3A_143 = vector.extract_strided_slice %select_n3A_122 {offsets = [0, 640], sizes = [256, 128], strides = [1, 1]} : vector<256x1024xf32> to vector<256x128xf32>
      %add3A_144 = arith.addf %add3A_142, %slice3A_143 : vector<256x128xf32>
      %slice3A_145 = vector.extract_strided_slice %select_n3A_122 {offsets = [0, 768], sizes = [256, 128], strides = [1, 1]} : vector<256x1024xf32> to vector<256x128xf32>
      %add3A_146 = arith.addf %add3A_144, %slice3A_145 : vector<256x128xf32>
      %slice3A_147 = vector.extract_strided_slice %select_n3A_122 {offsets = [0, 896], sizes = [256, 128], strides = [1, 1]} : vector<256x1024xf32> to vector<256x128xf32>
      %add3A_148 = arith.addf %add3A_146, %slice3A_147 : vector<256x128xf32>
      scf.yield %add3A_148 : vector<256x128xf32>
    }
    %while3A_39 = arith.constant 1 : i32
    %while3A_40 = scf.for %while3A_102 = %while3A_36 to %while3A_32 step %while3A_39 iter_args(%while3A_103 = %while3A_38) -> (vector<256x128xf32>)  : i32 {
      %get3A_104 = arith.index_cast %while3A_102 : i32 to index
      %get3A_105 = arith.constant 0 : index
      %get3A_106 = vector.load %arg1[%get3A_104, %get3A_105] : memref<10x1024xf32, #tpu.memory_space<vmem>>, vector<1x1024xf32>
      %get3A_107 = arith.index_cast %while3A_102 : i32 to index
      %get3A_108 = arith.constant 0 : index
      %get3A_109 = vector.load %arg2[%get3A_107, %get3A_108] : memref<10x1024xf32, #tpu.memory_space<vmem>>, vector<1x1024xf32>
      %add3A_110 = arith.addf %get3A_106, %get3A_109 : vector<1x1024xf32>
      %get3A_111 = arith.index_cast %while3A_102 : i32 to index
      %get3A_112 = arith.constant 0 : index
      %get3A_113 = vector.load %arg3[%get3A_111, %get3A_112] : memref<10x1024xf32, #tpu.memory_space<vmem>>, vector<1x1024xf32>
      %add3A_114 = arith.addf %add3A_110, %get3A_113 : vector<1x1024xf32>
      %le3A_115 = vector.broadcast %add3A_114 : vector<1x1024xf32> to vector<256x1024xf32>
      %le3A_116 = vector.broadcast %add3A_10 : vector<256x1xf32> to vector<256x1024xf32>
      %le3A_117 = arith.cmpf ole, %le3A_115, %le3A_116 : vector<256x1024xf32>
      %jit3A_118 = arith.constant 1.000000e+00 : f32
      %jit3A_119 = arith.constant 0.000000e+00 : f32
      %broadcast_in_dim3A_120 = vector.broadcast %jit3A_118 : f32 to vector<256x1024xf32>
      %broadcast_in_dim3A_121 = vector.broadcast %jit3A_119 : f32 to vector<256x1024xf32>
      %select_n3A_122 = arith.select %le3A_117, %broadcast_in_dim3A_120, %broadcast_in_dim3A_121 : vector<256x1024xi1>, vector<256x1024xf32>
      %get3A_123 = arith.index_cast %while3A_102 : i32 to index
      %get3A_124 = arith.constant 0 : index
      %get3A_125 = vector.load %arg8[%get3A_123, %get3A_124] : memref<10x1024xf32, #tpu.memory_space<vmem>>, vector<1x1024xf32>
      %reduce_sum3A_126 = arith.constant dense<0.000000e+00> : vector<1024xf32>
      %reduce_sum3A_127 = vector.multi_reduction <add>, %select_n3A_122, %reduce_sum3A_126 [0] : vector<256x1024xf32> to vector<1024xf32>
      %broadcast_in_dim3A_128 = vector.shape_cast %reduce_sum3A_127 : vector<1024xf32> to vector<1x1024xf32>
      %add3A_129 = arith.addf %get3A_125, %broadcast_in_dim3A_128 : vector<1x1024xf32>
      %swap3A_130 = arith.index_cast %while3A_102 : i32 to index
      %swap3A_131 = arith.constant 0 : index
      %swap3A_132 = vector.load %arg8[%swap3A_130, %swap3A_131] : memref<10x1024xf32, #tpu.memory_space<vmem>>, vector<1x1024xf32>
      tpu.vector_store %arg8[%swap3A_130, %swap3A_131], %add3A_129 {strides = array<i32>} : memref<10x1024xf32, #tpu.memory_space<vmem>>, vector<1x1024xf32>,
      %slice3A_133 = vector.extract_strided_slice %select_n3A_122 {offsets = [0, 0], sizes = [256, 128], strides = [1, 1]} : vector<256x1024xf32> to vector<256x128xf32>
      %add3A_134 = arith.addf %while3A_103, %slice3A_133 : vector<256x128xf32>
      %slice3A_135 = vector.extract_strided_slice %select_n3A_122 {offsets = [0, 128], sizes = [256, 128], strides = [1, 1]} : vector<256x1024xf32> to vector<256x128xf32>
      %add3A_136 = arith.addf %add3A_134, %slice3A_135 : vector<256x128xf32>
      %slice3A_137 = vector.extract_strided_slice %select_n3A_122 {offsets = [0, 256], sizes = [256, 128], strides = [1, 1]} : vector<256x1024xf32> to vector<256x128xf32>
      %add3A_138 = arith.addf %add3A_136, %slice3A_137 : vector<256x128xf32>
      %slice3A_139 = vector.extract_strided_slice %select_n3A_122 {offsets = [0, 384], sizes = [256, 128], strides = [1, 1]} : vector<256x1024xf32> to vector<256x128xf32>
      %add3A_140 = arith.addf %add3A_138, %slice3A_139 : vector<256x128xf32>
      %slice3A_141 = vector.extract_strided_slice %select_n3A_122 {offsets = [0, 512], sizes = [256, 128], strides = [1, 1]} : vector<256x1024xf32> to vector<256x128xf32>
      %add3A_142 = arith.addf %add3A_140, %slice3A_141 : vector<256x128xf32>
      %slice3A_143 = vector.extract_strided_slice %select_n3A_122 {offsets = [0, 640], sizes = [256, 128], strides = [1, 1]} : vector<256x1024xf32> to vector<256x128xf32>
      %add3A_144 = arith.addf %add3A_142, %slice3A_143 : vector<256x128xf32>
      %slice3A_145 = vector.extract_strided_slice %select_n3A_122 {offsets = [0, 768], sizes = [256, 128], strides = [1, 1]} : vector<256x1024xf32> to vector<256x128xf32>
      %add3A_146 = arith.addf %add3A_144, %slice3A_145 : vector<256x128xf32>
      %slice3A_147 = vector.extract_strided_slice %select_n3A_122 {offsets = [0, 896], sizes = [256, 128], strides = [1, 1]} : vector<256x1024xf32> to vector<256x128xf32>
      %add3A_148 = arith.addf %add3A_146, %slice3A_147 : vector<256x128xf32>
      scf.yield %add3A_148 : vector<256x128xf32>
    }
    %mul3A_41 = arith.constant 1024 : i32
    %mul3A_42 = arith.muli %select_n3A, %mul3A_41 : i32
    %iota3A_43 = tpu.iota {dimensions = array<i32: 1>} : vector<1x1024xi32>
    %add3A_44 = vector.broadcast %mul3A_42 : i32 to vector<1x1024xi32>
    %add3A_45 = arith.addi %add3A_44, %iota3A_43 : vector<1x1024xi32>
    %get3A_46 = arith.index_cast %select_n3A : i32 to index
    %get3A_47 = arith.constant 0 : index
    %get3A_48 = vector.load %arg1[%get3A_46, %get3A_47] : memref<10x1024xf32, #tpu.memory_space<vmem>>, vector<1x1024xf32>
    %get3A_49 = arith.index_cast %select_n3A : i32 to index
    %get3A_50 = arith.constant 0 : index
    %get3A_51 = vector.load %arg2[%get3A_49, %get3A_50] : memref<10x1024xf32, #tpu.memory_space<vmem>>, vector<1x1024xf32>
    %add3A_52 = arith.addf %get3A_48, %get3A_51 : vector<1x1024xf32>
    %get3A_53 = arith.index_cast %select_n3A : i32 to index
    %get3A_54 = arith.constant 0 : index
    %get3A_55 = vector.load %arg3[%get3A_53, %get3A_54] : memref<10x1024xf32, #tpu.memory_space<vmem>>, vector<1x1024xf32>
    %add3A_56 = arith.addf %add3A_52, %get3A_55 : vector<1x1024xf32>
    %le3A = vector.broadcast %add3A_56 : vector<1x1024xf32> to vector<256x1024xf32>
    %le3A_57 = vector.broadcast %add3A_10 : vector<256x1xf32> to vector<256x1024xf32>
    %le3A_58 = arith.cmpf ole, %le3A, %le3A_57 : vector<256x1024xf32>
    %lt3A = vector.broadcast %add3A_45 : vector<1x1024xi32> to vector<256x1024xi32>
    %lt3A_59 = vector.broadcast %add3A_13 : vector<256x1xi32> to vector<256x1024xi32>
    %lt3A_60 = arith.cmpi slt, %lt3A, %lt3A_59 : vector<256x1024xi32>
    %and3A_61 = arith.andi %le3A_58, %lt3A_60 : vector<256x1024xi1>
    %jit3A_62 = arith.constant 1.000000e+00 : f32
    %jit3A_63 = arith.constant 0.000000e+00 : f32
    %broadcast_in_dim3A_64 = vector.broadcast %jit3A_62 : f32 to vector<256x1024xf32>
    %broadcast_in_dim3A_65 = vector.broadcast %jit3A_63 : f32 to vector<256x1024xf32>
    %select_n3A_66 = arith.select %and3A_61, %broadcast_in_dim3A_64, %broadcast_in_dim3A_65 : vector<256x1024xi1>, vector<256x1024xf32>
    %get3A_67 = arith.index_cast %select_n3A : i32 to index
    %get3A_68 = arith.constant 0 : index
    %get3A_69 = vector.load %arg8[%get3A_67, %get3A_68] : memref<10x1024xf32, #tpu.memory_space<vmem>>, vector<1x1024xf32>
    %reduce_sum3A = arith.constant dense<0.000000e+00> : vector<1024xf32>
    %reduce_sum3A_70 = vector.multi_reduction <add>, %select_n3A_66, %reduce_sum3A [0] : vector<256x1024xf32> to vector<1024xf32>
    %broadcast_in_dim3A_71 = vector.shape_cast %reduce_sum3A_70 : vector<1024xf32> to vector<1x1024xf32>
    %add3A_72 = arith.addf %get3A_69, %broadcast_in_dim3A_71 : vector<1x1024xf32>
    %swap3A = arith.index_cast %select_n3A : i32 to index
    %swap3A_73 = arith.constant 0 : index
    %swap3A_74 = vector.load %arg8[%swap3A, %swap3A_73] : memref<10x1024xf32, #tpu.memory_space<vmem>>, vector<1x1024xf32>
    tpu.vector_store %arg8[%swap3A, %swap3A_73], %add3A_72 {strides = array<i32>} : memref<10x1024xf32, #tpu.memory_space<vmem>>, vector<1x1024xf32>,
    %slice3A = vector.extract_strided_slice %select_n3A_66 {offsets = [0, 0], sizes = [256, 128], strides = [1, 1]} : vector<256x1024xf32> to vector<256x128xf32>
    %add3A_75 = arith.addf %while3A_40, %slice3A : vector<256x128xf32>
    %slice3A_76 = vector.extract_strided_slice %select_n3A_66 {offsets = [0, 128], sizes = [256, 128], strides = [1, 1]} : vector<256x1024xf32> to vector<256x128xf32>
    %add3A_77 = arith.addf %add3A_75, %slice3A_76 : vector<256x128xf32>
    %slice3A_78 = vector.extract_strided_slice %select_n3A_66 {offsets = [0, 256], sizes = [256, 128], strides = [1, 1]} : vector<256x1024xf32> to vector<256x128xf32>
    %add3A_79 = arith.addf %add3A_77, %slice3A_78 : vector<256x128xf32>
    %slice3A_80 = vector.extract_strided_slice %select_n3A_66 {offsets = [0, 384], sizes = [256, 128], strides = [1, 1]} : vector<256x1024xf32> to vector<256x128xf32>
    %add3A_81 = arith.addf %add3A_79, %slice3A_80 : vector<256x128xf32>
    %slice3A_82 = vector.extract_strided_slice %select_n3A_66 {offsets = [0, 512], sizes = [256, 128], strides = [1, 1]} : vector<256x1024xf32> to vector<256x128xf32>
    %add3A_83 = arith.addf %add3A_81, %slice3A_82 : vector<256x128xf32>
    %slice3A_84 = vector.extract_strided_slice %select_n3A_66 {offsets = [0, 640], sizes = [256, 128], strides = [1, 1]} : vector<256x1024xf32> to vector<256x128xf32>
    %add3A_85 = arith.addf %add3A_83, %slice3A_84 : vector<256x128xf32>
    %slice3A_86 = vector.extract_strided_slice %select_n3A_66 {offsets = [0, 768], sizes = [256, 128], strides = [1, 1]} : vector<256x1024xf32> to vector<256x128xf32>
    %add3A_87 = arith.addf %add3A_85, %slice3A_86 : vector<256x128xf32>
    %slice3A_88 = vector.extract_strided_slice %select_n3A_66 {offsets = [0, 896], sizes = [256, 128], strides = [1, 1]} : vector<256x1024xf32> to vector<256x128xf32>
    %add3A_89 = arith.addf %add3A_87, %slice3A_88 : vector<256x128xf32>
    %reduce_sum3A_90 = arith.constant dense<0.000000e+00> : vector<256xf32>
    %reduce_sum3A_91 = vector.multi_reduction <add>, %add3A_89, %reduce_sum3A_90 [1] : vector<256x128xf32> to vector<256xf32>
    %broadcast_in_dim3A_92 = vector.shape_cast %reduce_sum3A_91 : vector<256xf32> to vector<256x1xf32>
    %convert_element_type3A_93 = arith.fptosi %broadcast_in_dim3A_92 : vector<256x1xf32> to vector<256x1xi32>
    %swap3A_94 = arith.constant 0 : index
    %swap3A_95 = arith.constant 0 : index
    %swap3A_96 = vector.load %arg6[%swap3A_94, %swap3A_95] : memref<256x1xi32, #tpu.memory_space<vmem>>, vector<256x1xi32>
    tpu.vector_store %arg6[%swap3A_94, %swap3A_95], %convert_element_type3A_93 {strides = array<i32>} : memref<256x1xi32, #tpu.memory_space<vmem>>, vector<256x1xi32>,
    %eq3A_97 = arith.constant 39 : i32
    %eq3A_98 = arith.cmpi eq, %arg0, %eq3A_97 : i32
    %convert_element_type3A_99 = arith.extui %eq3A_98 : i1 to i32
    %cond3A_100 = arith.constant 0 : i32
    %cond3A_101 = arith.cmpi ne, %convert_element_type3A_99, %cond3A_100 : i32
    scf.if %cond3A_101 {
      %get3A_102 = arith.constant 0 : index
      %get3A_103 = arith.constant 0 : index
      %get3A_104 = vector.load %arg8[%get3A_102, %get3A_103] : memref<10x1024xf32, #tpu.memory_space<vmem>>, vector<10x1024xf32>
      %convert_element_type3A_105 = arith.fptosi %get3A_104 : vector<10x1024xf32> to vector<10x1024xi32>
      %swap3A_106 = arith.constant 0 : index
      %swap3A_107 = arith.constant 0 : index
      %swap3A_108 = vector.load %arg7[%swap3A_106, %swap3A_107] : memref<10x1024xi32, #tpu.memory_space<vmem>>, vector<10x1024xi32>
      tpu.vector_store %arg7[%swap3A_106, %swap3A_107], %convert_element_type3A_105 {strides = array<i32>} : memref<10x1024xi32, #tpu.memory_space<vmem>>, vector<10x1024xi32>,
    } else {
    }
    return
  }
  func.func @transform_0(%arg0: i32) -> (i32, i32) {
    %c0_i32 = arith.constant 0 : i32
    %c0_i32_0 = arith.constant 0 : i32
    %c0_i32_1 = arith.constant 0 : i32
    return %c0_i32, %c0_i32_0 : i32, i32
  }
  func.func @transform_1(%arg0: i32) -> (i32, i32) {
    %c0_i32 = arith.constant 0 : i32
    %c0_i32_0 = arith.constant 0 : i32
    %c0_i32_1 = arith.constant 0 : i32
    return %c0_i32, %c0_i32_0 : i32, i32
  }
  func.func @transform_2(%arg0: i32) -> (i32, i32) {
    %c0_i32 = arith.constant 0 : i32
    %c0_i32_0 = arith.constant 0 : i32
    %c0_i32_1 = arith.constant 0 : i32
    return %c0_i32, %c0_i32_0 : i32, i32
  }
  func.func @transform_3(%arg0: i32) -> (i32, i32) {
    %c0_i32 = arith.constant 0 : i32
    %c0_i32_0 = arith.constant 0 : i32
    return %arg0, %c0_i32 : i32, i32
  }
  func.func @transform_4(%arg0: i32) -> (i32, i32) {
    %c0_i32 = arith.constant 0 : i32
    %c0_i32_0 = arith.constant 0 : i32
    return %arg0, %c0_i32 : i32, i32
  }
  func.func @transform_5(%arg0: i32) -> (i32, i32) {
    %c0_i32 = arith.constant 0 : i32
    %c0_i32_0 = arith.constant 0 : i32
    return %arg0, %c0_i32 : i32, i32
  }
  func.func @transform_6(%arg0: i32) -> (i32, i32) {
    %c0_i32 = arith.constant 0 : i32
    %c0_i32_0 = arith.constant 0 : i32
    %c0_i32_1 = arith.constant 0 : i32
    return %c0_i32, %c0_i32_0 : i32, i32
  }
}

</mosaic_0001>

<sc_bundles>
// kernel: kernel.5.cloned.1.call-start
scs
__scs_entry_jumppad:
0x0: {  	(pc) =	sbr.rel $0x88, $3  }
0x1: {  	(tag) =	ssettag $0x0;
	lr =	simm.s32 $0x1  }
0x2: {  	[smem:$0x3F9F] =	sst lr;
	_ =	strace $0xD0000000  }
0x3: {  	_ = 	snop  }
0x4: {  	_ = 	snop  }
0x5: {  	_ = 	snop  }
0x6: {  	_ = 	snop  }
0x7: {  	_ = 	snop  }
__scs_overlays_trampoline_lowered:
0x8: {  	[smem:$0x3FAE] =	sst s0  }
0x9: {  	[smem:$0x3FAF] =	sst s1  }
0xa: {  	[smem:$0x3FB0] =	sst s2  }
0xb: {  	[smem:$0x3FB1] =	sst s3  }
0xc: {  	[smem:$0x3FB2] =	sst s4  }
0xd: {  	[smem:$0x3FB3] =	sst s5  }
0xe: {  	[smem:$0x3FB4] =	sst s6  }
0xf: {  	[smem:$0x3FB5] =	sst s7  }
0x10: {  	[smem:$0x3FB6] =	sst s8  }
0x11: {  	[smem:$0x3FB7] =	sst s9;
	s0 =	simm.s32 @!p0 $0x0  }
0x12: {  	s1 =	sld [smem:$0x3F9D];
	s0 =	simm.s32 @p0 $0x1  }
0x13: {  	[smem:$0x3FB8] =	sst s0;
	s0 =	simm.s32 @!p1 $0x0  }
0x14: {  	s2 =	sld [smem:$0x3F9C];
	s0 =	simm.s32 @p1 $0x1  }
0x15: {  	[smem:$0x3FB9] =	sst s0;
	s0 =	simm.s32 @!p2 $0x0  }
0x16: {  	s3 =	sld [smem:$0x3FDB];
	s0 =	simm.s32 @p2 $0x1  }
0x17: {  	s4 =	simm.s32 $0x1BF5;
	[smem:$0x3FBB] =	sst s0  }
0x18: {  	s0 =	sld [smem:$0x3F9E];
	_ =	swait.ge [sflag:s4], $0x0  }
0x19: {  	s7 =	sld [smem:$0x3F9F]  }
0x1a: {  	s8 =	sadd.s32 $0xFFFFE003, lr  }
0x1b: {  	s9 =	sadd.s32 $0xFFFFFEF7, lr;
	s5 =	simm.s32 $0xFFFFFFFF;
	p2 =	slt.u32 s8, $0xFFFFF086  }
0x1c: {  	p1 =	slt.u32 s9, $0xF7A;
	s5 =	simm.s32 @!p2 $0x0  }
0x1d: {  	s5 =	simm.s32 @p1 $0x1;
	p0 =	seq.s32 s7, s2  }
0x1e: {  	s7 =	smul.u32 @!p0 $0xF7A, s2;
	p2 =	seq.s32 @!p0 s5, $0x0  }
0x1f: {  	s9 =	smul.u32 $0xF7A, s1;
	s8 =	simm.s32 @!p0 $0x1BF5;
	p2 =	por !p2, p0  }
0x20: {  	[sflag:s8] =	ssyncset.s32 @!p0 $0xFFFFF086;
	s6 =	sadd.s32 @!p0 s3, s7;
	s7 =	simm.s32 @!p0 $0x108  }
0x21: {  	s3 =	sadd.s32 s3, s9;
	s6 =	sadd.s32 @!p0 $0x88, s6;
	s7 =	simm.s32 @p2 $0x1082  }
0x22: {  	[simem:s7], [sflag:s8] =	dma.local @!p0 [hbm:s6], $0xF7A  }
0x23: {  	s9 =	sor.u32 $0xD0000000, s2;
	s6 =	simm.s32 $0x108;
	_ =	swait.ge @!p0 [sflag:s8], $0x0  }
0x24: {  	s3 =	sadd.s32 $0x88, s3;
	s6 =	simm.s32 @!p1 $0x1082;
	[sflag:s4] =	ssyncset.s32 $0xFFFFF086  }
0x25: {  	[simem:s6], [sflag:s4] =	dma.local [hbm:s3], $0xF7A  }
0x26: {  	[smem:$0x3F9F] =	sst s1;
	(tag) =	ssettag s2;
	_ =	strace s9  }
0x27: {  	s1 =	sld [smem:$0x3FAF]  }
0x28: {  	s2 =	sld [smem:$0x3FB0]  }
0x29: {  	s4 =	sld [smem:$0x3FB2]  }
0x2a: {  	p0 =	seq.s32 s5, $0x0;
	s5 =	sld [smem:$0x3FB3]  }
0x2b: {  	s6 =	sld [smem:$0x3FB4]  }
0x2c: {  	s7 =	sld [smem:$0x3FB5]  }
0x2d: {  	s3 =	simm.s32 $0x108;
	s8 =	sld [smem:$0x3FB6]  }
0x2e: {  	s3 =	simm.s32 @!p0 $0x1082;
	s9 =	sld [smem:$0x3FB7]  }
0x2f: {  	lr =	sadd.s32 s0, s3;
	s0 =	sld [smem:$0x3FAE]  }
0x30: {  	s3 =	sld [smem:$0x3FB1]  }
0x31: {  	[smem:$0x3FBA] =	sst s10  }
0x32: {  	s10 =	sld [smem:$0x3FB8];
	_ =	sdelay $0x3  }
0x33: {  	p0 =	seq.s32 s10, $0x1;
	s10 =	sld [smem:$0x3FBA];
	_ =	sdelay $0x3  }
0x34: {  	[smem:$0x3FBA] =	sst s10  }
0x35: {  	s10 =	sld [smem:$0x3FB9];
	_ =	sdelay $0x3  }
0x36: {  	p1 =	seq.s32 s10, $0x1;
	s10 =	sld [smem:$0x3FBA];
	_ =	sdelay $0x3  }
0x37: {  	[smem:$0x3FBA] =	sst s10  }
0x38: {  	s10 =	sld [smem:$0x3FBB]  }
0x39: {  	_ = 	snop;
	(pc) =	sbr.ind lr, $3  }
0x3a: {  	_ = 	snop  }
0x3b: {  	_ = 	snop  }
0x3c: {  	p2 =	seq.s32 s10, $0x1;
	s10 =	sld [smem:$0x3FBA]  }
0x3d: {  	_ =	shalt  }
0x3e: {  	_ =	shalt  }
0x3f: {  	_ =	shalt  }
0x40: {  	_ =	shalt  }
0x41: {  	_ =	shalt  }
0x42: {  	_ =	shalt  }
0x43: {  	_ =	shalt  }
0x44: {  	_ =	shalt  }
0x45: {  	_ =	shalt  }
0x46: {  	_ =	shalt  }
0x47: {  	_ =	shalt  }
0x48: {  	_ =	shalt  }
0x49: {  	_ =	shalt  }
0x4a: {  	_ =	shalt  }
0x4b: {  	_ =	shalt  }
0x4c: {  	_ =	shalt  }
0x4d: {  	_ =	shalt  }
0x4e: {  	_ =	shalt  }
0x4f: {  	_ =	shalt  }
0x50: {  	_ =	shalt  }
0x51: {  	_ =	shalt  }
0x52: {  	_ =	shalt  }
0x53: {  	_ =	shalt  }
0x54: {  	_ =	shalt  }
0x55: {  	_ =	shalt  }
0x56: {  	_ =	shalt  }
0x57: {  	_ =	shalt  }
0x58: {  	_ =	shalt  }
0x59: {  	_ =	shalt  }
0x5a: {  	_ =	shalt  }
0x5b: {  	_ =	shalt  }
0x5c: {  	_ =	shalt  }
0x5d: {  	_ =	shalt  }
0x5e: {  	_ =	shalt  }
0x5f: {  	_ =	shalt  }
0x60: {  	_ =	shalt  }
0x61: {  	_ =	shalt  }
0x62: {  	_ =	shalt  }
0x63: {  	_ =	shalt  }
0x64: {  	_ =	shalt  }
0x65: {  	_ =	shalt  }
0x66: {  	_ =	shalt  }
0x67: {  	_ =	shalt  }
0x68: {  	_ =	shalt  }
0x69: {  	_ =	shalt  }
0x6a: {  	_ =	shalt  }
0x6b: {  	_ =	shalt  }
0x6c: {  	_ =	shalt  }
0x6d: {  	_ =	shalt  }
0x6e: {  	_ =	shalt  }
0x6f: {  	_ =	shalt  }
0x70: {  	_ =	shalt  }
0x71: {  	_ =	shalt  }
0x72: {  	_ =	shalt  }
0x73: {  	_ =	shalt  }
0x74: {  	_ =	shalt  }
0x75: {  	_ =	shalt  }
0x76: {  	_ =	shalt  }
0x77: {  	_ =	shalt  }
0x78: {  	_ =	shalt  }
0x79: {  	_ =	shalt  }
0x7a: {  	_ =	shalt  }
0x7b: {  	_ =	shalt  }
0x7c: {  	_ =	shalt  }
0x7d: {  	_ =	shalt  }
0x7e: {  	_ =	shalt  }
0x7f: {  	_ =	shalt  }
0x80: {  	_ =	shalt  }
0x81: {  	_ =	shalt  }
0x82: {  	_ =	shalt  }
0x83: {  	_ =	shalt  }
0x84: {  	_ =	shalt  }
0x85: {  	_ =	shalt  }
0x86: {  	_ =	shalt  }
0x87: {  	_ =	shalt  }
.Lfunc_end0:
.L_simem_size_0:
called_computation_lowered:
.L_overlay_start_0:
0x88: {  	s2 =	sld [smem:$0x3FD9]  }
0x89: {  	s3 =	sld [smem:$0x3FFE];
	_ =	sdelay $0x1  }
0x8a: {  	s1 =	srdreg.scid  }
0x8b: {  	s0 =	sand.u32 $0x1, s1  }
0x8c: {  	s14 =	sshll.u32 s0, $0xA;
	s2 =	sadd.s32 s3, s2  }
0x8d: {  	s2 =	sadd.s32 s2, s14  }
0x8e: {  	[smem:$0x3FC6] =	sst s2  }
0x8f: {  	_ = 	snop  }
0x90: {  	s2 =	sld [smem:$0x3FD0];
	_ =	sdelay $0x2  }
0x91: {  	s15 =	simm.s32 $0xA;
	s4 =	simm.s32 $0x10  }
0x92: {  	[smem:s4], [sflag:s15] =	dma.local [hbm:s2], $0x1  }
0x93: {  	_ =	swait.eq [sflag:s15], $0x1  }
0x94: {  	[sflag:s15] =	ssyncset.done $0x0  }
0x95: {  	[sflag:s15] =	ssyncadd.s32 $0xFFFFFFFF  }
0x96: {  	s16 =	sld [smem:$0x10];
	(tm) =	ssettm $0x1  }
0x97: {  	s17 =	sld [smem:$0x3FFB];
	_ =	sdelay $0x3  }
0x98: {  	_ =	strace s17  }
0x99: {  	s3 =	sld [smem:$0x3FFC];
	_ =	sdelay $0x3  }
0x9a: {  	_ =	strace s3  }
0x9b: {  	s3 =	sld [smem:$0x3FFD];
	_ =	sdelay $0x3  }
0x9c: {  	_ =	strace s3  }
0x9d: {  	_ =	strace $0x8FFFFFFF  }
0x9e: {  	s18 =	sld [smem:$0x3FDB];
	_ =	sdelay $0x1  }
0x9f: {  	s19 =	simm.s32 $_scs_section_size  }
0xa0: {  	s5 =	simm.s32 $_size__tile_overlayer_lowered;
	s6 =	simm.s32 $_tile_overlayer_lowered  }
0xa1: {  	s22 =	simm.s32 $0x1BFF;
	s21 =	sshll.u32 s6, $0x1;
	s3 =	sadd.s32 s19, s18  }
0xa2: {  	s7 =	simm.s32 $0x0;
	s20 =	sshll.u32 s5, $0x1;
	s5 =	sadd.s32 s21, s3  }
0xa3: {  	[timem:s7], [sflag:s22] =	dma.local [hbm:s5], s20  }
0xa4: {  	_ =	swait.ge [sflag:s22], s20  }
0xa5: {  	s4 =	ssub.s32 $0x0, s20;
	[sflag:s22] =	ssyncset.done $0x0  }
0xa6: {  	[sflag:s22] =	ssyncadd.s32 s4;
	_ =	sdelay $0x1  }
0xa7: {  	s23 =	simm.s32 $0x1B8B  }
0xa8: {  	_ =	swait.ge [sflag:s23], $0x1  }
0xa9: {  	[sflag:s23] =	ssyncset.done $0x0  }
0xaa: {  	s25 =	simm.s32 $0x1B8E;
	s24 =	sld [smem:$0x3FFE];
	[sflag:s23] =	ssyncadd.s32 $0xFFFFFFFF  }
0xab: {  	s26 =	simm.s32 $execute0_lowered;
	[smem:$0x3FD2] =	sst s25  }
0xac: {  	s5 =	sshll.u32 s26, $0x1;
	_ =	strace $0x80000046;
	[dreg:$0x1] =	wrdreg $0xFFFFFFFF  }
0xad: {  	s28 =	simm.s32 $_size_execute0_lowered;
	s3 =	sadd.s32 s3, s5;
	[dreg:$0x0] =	wrdreg $0x0  }
0xae: {  	s5 =	sshll.u32 s28, $0x1;
	[dreg:$0x2] =	wrdreg s3  }
0xaf: {  	[dreg:$0x3] =	wrdreg s5  }
0xb0: {  	[dreg:$0x4] =	wrdreg $0xC0  }
0xb1: {  	_ =	task [dreg:s7], $0x5FFFF  }
0xb2: {  	[dreg:$0x1] =	wrdreg $0xFFFFFFFF  }
0xb3: {  	[dreg:$0x0] =	wrdreg $0x60  }
0xb4: {  	[dreg:$0x2] =	wrdreg s16  }
0xb5: {  	[dreg:$0x3] =	wrdreg s24  }
0xb6: {  	[dreg:$0x4] =	wrdreg $0x2B000  }
0xb7: {  	[dreg:$0x5] =	wrdreg $0x9  }
0xb8: {  	_ =	task.clear_ibuf [dreg:s7], $0x6FFFF;
	_ =	strace $0x90000046  }
0xb9: {  	s29 =	simm.s32 $0x9;
	_ =	strace $0x80000048  }
0xba: {  	_ =	swait.ge [sflag:s29], $0x1  }
0xbb: {  	[sflag:s29] =	ssyncadd.s32 $0xFFFFFFFF  }
0xbc: {  	_ =	strace $0x90000048  }
0xbd: {  	_ =	sfence  }
0xbe: {  	s30 =	sld [smem:$0x0];
	_ =	sdelay $0x2  }
0xbf: {  	s31 =	sshll.u32 s1, $0xD;
	s1 =	sshrl.u32 s1, $0x2  }
0xc0: {  	s3 =	sand.u32 $0x4000, s31;
	s1 =	sadd.s32 s1, s30  }
0xc1: {  	s0 =	sor.u32 s3, s0;
	s1 =	sshll.u32 s1, $0x11  }
0xc2: {  	s0 =	sor.u32 s1, s0  }
0xc3: {  	s0 =	sadd.s32 $0x8F2B, s0  }
0xc4: {  	[sflag:s0] =	ssyncadd.remote.s32 $0x1  }
0xc5: {  	_ =	sfence.sel $0xFFFF  }
0xc6: {  	[dreg:$0x0] =	wrdreg $0xFFFFFFFF;
	(pc) =	sbr.abs _section_cstart, $3  }
0xc7: {  	[dreg:$0x1] =	wrdreg $0xFFFFFFFF  }
0xc8: {  	_ =	task.clear_ibuf [dreg:s7], $0x2FFFF;
	_ =	strace $0x9FFFFFFF  }
0xc9: {  	(tm) =	ssettm $0x7FFFFFFF  }
tec
execute0_lowered:
.L_overlay_start_1:
0x0: {  	(tag) =	ssettag $0x1  }
0x1: {  	s5 =	rddreg [dreg:$0x0]  }
0x2: {  	s6 =	rddreg [dreg:$0x1]  }
0x3: {  	s1 =	rddreg [dreg:$0x2]  }
0x4: {  	s0 =	rddreg [dreg:$0x3];
	s3 =	simm.s32 $0x0;
	s4 =	srdreg.scid  }
0x5: {  	s2 =	stileid.u32;
	s14 =	simm.s32 $0x20;
	s15 =	simm.s32 $0x10  }
0x6: {  	s16 =	simm.s32 $0x0;
	[smem:$0x7FF] =	sst s3;
	s7 =	smul.u32 $0xA00, s2  }
0x7: {  	s4 =	sand.u32 $0x1, s4;
	s10 =	smul.u32 $0x500, s2;
	s12 =	sshll.u32 s2, $0x6  }
0x8: {  	_ =	strace $0x80000047;
	s8 =	sshll.u32 s4, $0x4;
	s9 =	ssub.s32 $0x2, s4  }
0x9: {  	s4 =	sshll.u32 s4, $0x7;
	s12 =	sor.u32 $0x1C01, s12;
	s8 =	sor.u32 s2, s8  }
0xa: {  	s11 =	sshrl.u32 s9, $0x1;
	s7 =	sshrl.u32 s7, $0x2;
	s10 =	sor.u32 s4, s10  }
0xb: {  	s8 =	smul.u32 $0x500, s8;
	s9 =	ssub.s32 s9, s11;
	s4 =	sadd.s32 s7, s1  }
0xc: {  	s31 =	sshrl.u32 s10, $0x3;
	s10 =	simm.s32 $0x80;
	s11 =	simm.s32 $0x2800  }
0xd: {  	s6 =	sadd.s32 s6, s31;
	s7 =	smax.u32 s9, $0x1;
	s9 =	simm.s32 $0x1  }
0xe: {  	v0 =	vimm.f32 $1.000000000e+00;
	v1 =	vimm.f32 $0.0e+00;
	s13 =	sshrl.u32 s4, $0x3;
	s5 =	sadd.s32 s5, s8;
	s8 =	simm.s32 $0x2880  }
.LBB2_1:
0xf: {  	[tilespmem:$0x2800] =	vst v0  }
0x10: {  	[tilespmem:$0x2810] =	vst v0  }
0x11: {  	[tilespmem:$0x2820] =	vst v0  }
0x12: {  	[tilespmem:$0x2830] =	vst v0  }
0x13: {  	[tilespmem:$0x2840] =	vst v0  }
0x14: {  	[tilespmem:$0x2850] =	vst v0  }
0x15: {  	[tilespmem:$0x2860] =	vst v0  }
0x16: {  	[tilespmem:$0x2870] =	vst v0  }
0x17: {  	[tilespmem:$0x2880] =	vst v1  }
0x18: {  	[tilespmem:$0x2890] =	vst v1  }
0x19: {  	[tilespmem:$0x28A0] =	vst v1  }
0x1a: {  	[tilespmem:$0x28B0] =	vst v1  }
0x1b: {  	[tilespmem:$0x28C0] =	vst v1  }
0x1c: {  	[tilespmem:$0x28D0] =	vst v1  }
0x1d: {  	[tilespmem:$0x28E0] =	vst v1  }
0x1e: {  	[tilespmem:$0x28F0] =	vst v1  }
0x1f: {  	[tilespmem:$0x2900] =	vst v1  }
0x20: {  	[tilespmem:$0x2910] =	vst v1  }
0x21: {  	[tilespmem:$0x2920] =	vst v1  }
0x22: {  	[tilespmem:$0x2930] =	vst v1  }
0x23: {  	[tilespmem:$0x2940] =	vst v1  }
0x24: {  	[tilespmem:$0x2950] =	vst v1  }
0x25: {  	[tilespmem:$0x2960] =	vst v1  }
0x26: {  	[tilespmem:$0x2970] =	vst v1  }
0x27: {  	[tilespmem:$0x2980] =	vst v1  }
0x28: {  	[tilespmem:$0x2990] =	vst v1  }
0x29: {  	[tilespmem:$0x29A0] =	vst v1  }
0x2a: {  	[tilespmem:$0x29B0] =	vst v1  }
0x2b: {  	[tilespmem:$0x29C0] =	vst v1  }
0x2c: {  	[tilespmem:$0x29D0] =	vst v1  }
0x2d: {  	[tilespmem:$0x29E0] =	vst v1  }
0x2e: {  	[tilespmem:$0x29F0] =	vst v1  }
0x2f: {  	[tilespmem:$0x2A00] =	vst v1  }
0x30: {  	[tilespmem:$0x2A10] =	vst v1  }
0x31: {  	[tilespmem:$0x2A20] =	vst v1  }
0x32: {  	[tilespmem:$0x2A30] =	vst v1  }
0x33: {  	[tilespmem:$0x2A40] =	vst v1  }
0x34: {  	[tilespmem:$0x2A50] =	vst v1  }
0x35: {  	[tilespmem:$0x2A60] =	vst v1  }
0x36: {  	[tilespmem:$0x2A70] =	vst v1  }
0x37: {  	[tilespmem:$0x2A80] =	vst v1  }
0x38: {  	[tilespmem:$0x2A90] =	vst v1  }
0x39: {  	[tilespmem:$0x2AA0] =	vst v1  }
0x3a: {  	[tilespmem:$0x2AB0] =	vst v1  }
0x3b: {  	[tilespmem:$0x2AC0] =	vst v1  }
0x3c: {  	[tilespmem:$0x2AD0] =	vst v1  }
0x3d: {  	[tilespmem:$0x2AE0] =	vst v1  }
0x3e: {  	[tilespmem:$0x2AF0] =	vst v1  }
0x3f: {  	[spmem:s4] =	stream.linear.scatter [tilespmem:s8], [sflag:$0x1], $0x280, $0x38;
	[tilespmem:$0x2D80] =	vst v63  }
0x40: {  	_ =	swait.ge [sflag:s9], $0x280  }
0x41: {  	[sflag:s9] =	ssyncset.done $0x0  }
0x42: {  	[sflag:s9] =	ssyncadd.s32 $0xFFFFFD80  }
0x43: {  	[tilespmem:s3], [sflag:$0x1] =	stream.linear.gather [hbm4b:s5+s3], $0x2800, $0x38;
	[tilespmem:$0x2D80] =	vst v63  }
0x44: {  	_ =	swait.ge [sflag:s9], $0x2800  }
0x45: {  	[sflag:s9] =	ssyncset.done $0x0  }
0x46: {  	[sflag:s9] =	ssyncadd.s32 $0xFFFFD800  }
0x47: {  	s17 =	simm.s32 $0x0;
	[bflag:$0x0] =	sbarrier.arrive $0xFFFF  }
0x48: {  	[spmem:s1] =	stream.indirect.scatter.add.f32 [tilespmem:s11], [sflag:$0x1], $0x1, s17, s10, $0xb8;
	[tilespmem:$0x2D80] =	vst v63  }
0x49: {  	_ =	swait.ge [sflag:s9], $0x80  }
0x4a: {  	s17 =	simm.s32 $0x200;
	[sflag:s9] =	ssyncset.done $0x0  }
.LBB2_2:
0x4b: {  	s18 =	sshra.s32 s17, $0x2;
	[sflag:s9] =	ssyncadd.s32 $0xFFFFFF80;
	p0 =	sne.s32 s17, $0x9E00  }
0x4c: {  	[spmem:s1] =	stream.indirect.scatter.add.f32 [tilespmem:s11], [sflag:$0x1], $0x1, s18, s10, $0xb8;
	[tilespmem:$0x2D80] =	vst v63  }
.Ltmp0:
0x4d: {  	_ = 	snop;
	(pc) =	sbr.rel @p0 .LBB2_2-.Ltmp0, $4  }
0x4e: {  	_ = 	snop  }
0x4f: {  	s17 =	sadd.s32 $0x200, s17  }
0x50: {  	_ =	swait.ge [sflag:s9], $0x80  }
0x51: {  	[sflag:s9] =	ssyncset.done $0x0  }
0x52: {  	s16 =	sadd.s32 $0x1, s16  }
0x53: {  	[sflag:s9] =	ssyncadd.s32 $0xFFFFFF80;
	p0 =	sne.s32 s16, s7  }
.Ltmp1:
0x54: {  	[bflag:$0x0] =	sbarrier.arrive $0xFFFF;
	(pc) =	sbr.rel @p0 .LBB2_1-.Ltmp1, $4  }
0x55: {  	[hbm:s6@s14], [sflag:s12] =	dma.strided [spmem:s13@s15], $0x50, s9, $0x10   }
0x56: {  	_ =	swait.ge [sflag:s9], $0x50  }
0x57: {  	[sflag:s9] =	ssyncset.done $0x0  }
0x58: {  	[sflag:s9] =	ssyncadd.s32 $0xFFFFFFB0  }
0x59: {  	_ =	sfence.sel $0x180000  }
0x5a: {  	[bflag:$0x0] =	sbarrier.arrive $0xFFFF  }
0x5b: {  	p0 =	sne.s32 s2, $0x0;
	_ =	strace $0x90000047  }
0x5c: {  	s0 =	sadd.s32 @!p0 $0x100000, s0;
	[bflag:$0x2] =	sbarrier.arrive $0xFFFF  }
0x5d: {  	[sflag:s0] =	ssyncadd.tile.s32 @!p0 $0x1;
	_ =	shalt  }
.Lfunc_end2:
_tile_overlayer_lowered:
.L_overlay_start_2:
0x5e: {  	(tag) =	ssettag $0x2  }
0x5f: {  	s0 =	rddreg [dreg:$0x0];
	s2 =	stileid.u32  }
0x60: {  	s1 =	rddreg [dreg:$0x1];
	p0 =	sne.s32 s2, $0x0  }
0x61: {  	s3 =	rddreg [dreg:$0x2];
	[bflag:$0x3] =	sbarrier.arrive $0xFFFF;
	s2 =	simm.s32 @!p0 $0x1C01  }
0x62: {  	[timem:s3], [sflag:s2] =	dma.local @!p0 [hbm:s0], s1  }
0x63: {  	s0 =	simm.s32 @!p0 $0x1  }
0x64: {  	_ =	swait.ge @!p0 [sflag:s0], s1  }
0x65: {  	s1 =	ssub.s32 @!p0 $0x0, s1;
	[sflag:s0] =	ssyncset.done @!p0 $0x0  }
0x66: {  	[sflag:s0] =	ssyncadd.s32 @!p0 s1  }
0x67: {  	[bflag:$0x3] =	sbarrier.arrive $0xFFFF  }
0x68: {  	_ =	shalt  }

// kernel: kernel.8.cloned.1.call-start
scs
__scs_entry_jumppad:
0x0: {  	(pc) =	sbr.rel $0x88, $3  }
0x1: {  	(tag) =	ssettag $0x0;
	lr =	simm.s32 $0x1  }
0x2: {  	[smem:$0x3F9F] =	sst lr;
	_ =	strace $0xD0000000  }
0x3: {  	_ = 	snop  }
0x4: {  	_ = 	snop  }
0x5: {  	_ = 	snop  }
0x6: {  	_ = 	snop  }
0x7: {  	_ = 	snop  }
__scs_overlays_trampoline_lowered:
0x8: {  	[smem:$0x3FAE] =	sst s0  }
0x9: {  	[smem:$0x3FAF] =	sst s1  }
0xa: {  	[smem:$0x3FB0] =	sst s2  }
0xb: {  	[smem:$0x3FB1] =	sst s3  }
0xc: {  	[smem:$0x3FB2] =	sst s4  }
0xd: {  	[smem:$0x3FB3] =	sst s5  }
0xe: {  	[smem:$0x3FB4] =	sst s6  }
0xf: {  	[smem:$0x3FB5] =	sst s7  }
0x10: {  	[smem:$0x3FB6] =	sst s8  }
0x11: {  	[smem:$0x3FB7] =	sst s9;
	s0 =	simm.s32 @!p0 $0x0  }
0x12: {  	s1 =	sld [smem:$0x3F9D];
	s0 =	simm.s32 @p0 $0x1  }
0x13: {  	[smem:$0x3FB8] =	sst s0;
	s0 =	simm.s32 @!p1 $0x0  }
0x14: {  	s2 =	sld [smem:$0x3F9C];
	s0 =	simm.s32 @p1 $0x1  }
0x15: {  	[smem:$0x3FB9] =	sst s0;
	s0 =	simm.s32 @!p2 $0x0  }
0x16: {  	s3 =	sld [smem:$0x3FDB];
	s0 =	simm.s32 @p2 $0x1  }
0x17: {  	s4 =	simm.s32 $0x1BF5;
	[smem:$0x3FBB] =	sst s0  }
0x18: {  	s0 =	sld [smem:$0x3F9E];
	_ =	swait.ge [sflag:s4], $0x0  }
0x19: {  	s7 =	sld [smem:$0x3F9F]  }
0x1a: {  	s8 =	sadd.s32 $0xFFFFE003, lr  }
0x1b: {  	s9 =	sadd.s32 $0xFFFFFEF7, lr;
	s5 =	simm.s32 $0xFFFFFFFF;
	p2 =	slt.u32 s8, $0xFFFFF086  }
0x1c: {  	p1 =	slt.u32 s9, $0xF7A;
	s5 =	simm.s32 @!p2 $0x0  }
0x1d: {  	s5 =	simm.s32 @p1 $0x1;
	p0 =	seq.s32 s7, s2  }
0x1e: {  	s7 =	smul.u32 @!p0 $0xF7A, s2;
	p2 =	seq.s32 @!p0 s5, $0x0  }
0x1f: {  	s9 =	smul.u32 $0xF7A, s1;
	s8 =	simm.s32 @!p0 $0x1BF5;
	p2 =	por !p2, p0  }
0x20: {  	[sflag:s8] =	ssyncset.s32 @!p0 $0xFFFFF086;
	s6 =	sadd.s32 @!p0 s3, s7;
	s7 =	simm.s32 @!p0 $0x108  }
0x21: {  	s3 =	sadd.s32 s3, s9;
	s6 =	sadd.s32 @!p0 $0x88, s6;
	s7 =	simm.s32 @p2 $0x1082  }
0x22: {  	[simem:s7], [sflag:s8] =	dma.local @!p0 [hbm:s6], $0xF7A  }
0x23: {  	s9 =	sor.u32 $0xD0000000, s2;
	s6 =	simm.s32 $0x108;
	_ =	swait.ge @!p0 [sflag:s8], $0x0  }
0x24: {  	s3 =	sadd.s32 $0x88, s3;
	s6 =	simm.s32 @!p1 $0x1082;
	[sflag:s4] =	ssyncset.s32 $0xFFFFF086  }
0x25: {  	[simem:s6], [sflag:s4] =	dma.local [hbm:s3], $0xF7A  }
0x26: {  	[smem:$0x3F9F] =	sst s1;
	(tag) =	ssettag s2;
	_ =	strace s9  }
0x27: {  	s1 =	sld [smem:$0x3FAF]  }
0x28: {  	s2 =	sld [smem:$0x3FB0]  }
0x29: {  	s4 =	sld [smem:$0x3FB2]  }
0x2a: {  	p0 =	seq.s32 s5, $0x0;
	s5 =	sld [smem:$0x3FB3]  }
0x2b: {  	s6 =	sld [smem:$0x3FB4]  }
0x2c: {  	s7 =	sld [smem:$0x3FB5]  }
0x2d: {  	s3 =	simm.s32 $0x108;
	s8 =	sld [smem:$0x3FB6]  }
0x2e: {  	s3 =	simm.s32 @!p0 $0x1082;
	s9 =	sld [smem:$0x3FB7]  }
0x2f: {  	lr =	sadd.s32 s0, s3;
	s0 =	sld [smem:$0x3FAE]  }
0x30: {  	s3 =	sld [smem:$0x3FB1]  }
0x31: {  	[smem:$0x3FBA] =	sst s10  }
0x32: {  	s10 =	sld [smem:$0x3FB8];
	_ =	sdelay $0x3  }
0x33: {  	p0 =	seq.s32 s10, $0x1;
	s10 =	sld [smem:$0x3FBA];
	_ =	sdelay $0x3  }
0x34: {  	[smem:$0x3FBA] =	sst s10  }
0x35: {  	s10 =	sld [smem:$0x3FB9];
	_ =	sdelay $0x3  }
0x36: {  	p1 =	seq.s32 s10, $0x1;
	s10 =	sld [smem:$0x3FBA];
	_ =	sdelay $0x3  }
0x37: {  	[smem:$0x3FBA] =	sst s10  }
0x38: {  	s10 =	sld [smem:$0x3FBB]  }
0x39: {  	_ = 	snop;
	(pc) =	sbr.ind lr, $3  }
0x3a: {  	_ = 	snop  }
0x3b: {  	_ = 	snop  }
0x3c: {  	p2 =	seq.s32 s10, $0x1;
	s10 =	sld [smem:$0x3FBA]  }
0x3d: {  	_ =	shalt  }
0x3e: {  	_ =	shalt  }
0x3f: {  	_ =	shalt  }
0x40: {  	_ =	shalt  }
0x41: {  	_ =	shalt  }
0x42: {  	_ =	shalt  }
0x43: {  	_ =	shalt  }
0x44: {  	_ =	shalt  }
0x45: {  	_ =	shalt  }
0x46: {  	_ =	shalt  }
0x47: {  	_ =	shalt  }
0x48: {  	_ =	shalt  }
0x49: {  	_ =	shalt  }
0x4a: {  	_ =	shalt  }
0x4b: {  	_ =	shalt  }
0x4c: {  	_ =	shalt  }
0x4d: {  	_ =	shalt  }
0x4e: {  	_ =	shalt  }
0x4f: {  	_ =	shalt  }
0x50: {  	_ =	shalt  }
0x51: {  	_ =	shalt  }
0x52: {  	_ =	shalt  }
0x53: {  	_ =	shalt  }
0x54: {  	_ =	shalt  }
0x55: {  	_ =	shalt  }
0x56: {  	_ =	shalt  }
0x57: {  	_ =	shalt  }
0x58: {  	_ =	shalt  }
0x59: {  	_ =	shalt  }
0x5a: {  	_ =	shalt  }
0x5b: {  	_ =	shalt  }
0x5c: {  	_ =	shalt  }
0x5d: {  	_ =	shalt  }
0x5e: {  	_ =	shalt  }
0x5f: {  	_ =	shalt  }
0x60: {  	_ =	shalt  }
0x61: {  	_ =	shalt  }
0x62: {  	_ =	shalt  }
0x63: {  	_ =	shalt  }
0x64: {  	_ =	shalt  }
0x65: {  	_ =	shalt  }
0x66: {  	_ =	shalt  }
0x67: {  	_ =	shalt  }
0x68: {  	_ =	shalt  }
0x69: {  	_ =	shalt  }
0x6a: {  	_ =	shalt  }
0x6b: {  	_ =	shalt  }
0x6c: {  	_ =	shalt  }
0x6d: {  	_ =	shalt  }
0x6e: {  	_ =	shalt  }
0x6f: {  	_ =	shalt  }
0x70: {  	_ =	shalt  }
0x71: {  	_ =	shalt  }
0x72: {  	_ =	shalt  }
0x73: {  	_ =	shalt  }
0x74: {  	_ =	shalt  }
0x75: {  	_ =	shalt  }
0x76: {  	_ =	shalt  }
0x77: {  	_ =	shalt  }
0x78: {  	_ =	shalt  }
0x79: {  	_ =	shalt  }
0x7a: {  	_ =	shalt  }
0x7b: {  	_ =	shalt  }
0x7c: {  	_ =	shalt  }
0x7d: {  	_ =	shalt  }
0x7e: {  	_ =	shalt  }
0x7f: {  	_ =	shalt  }
0x80: {  	_ =	shalt  }
0x81: {  	_ =	shalt  }
0x82: {  	_ =	shalt  }
0x83: {  	_ =	shalt  }
0x84: {  	_ =	shalt  }
0x85: {  	_ =	shalt  }
0x86: {  	_ =	shalt  }
0x87: {  	_ =	shalt  }
.Lfunc_end0:
.L_simem_size_0:
called_computation.1_lowered:
.L_overlay_start_0:
0x88: {  	s2 =	sld [smem:$0x3FD9]  }
0x89: {  	s3 =	sld [smem:$0x3FFE];
	_ =	sdelay $0x1  }
0x8a: {  	s1 =	srdreg.scid  }
0x8b: {  	s0 =	sand.u32 $0x1, s1  }
0x8c: {  	s14 =	sshll.u32 s0, $0xA;
	s2 =	sadd.s32 s3, s2  }
0x8d: {  	s2 =	sadd.s32 s2, s14  }
0x8e: {  	[smem:$0x3FC6] =	sst s2  }
0x8f: {  	_ = 	snop  }
0x90: {  	s2 =	sld [smem:$0x3FD0];
	_ =	sdelay $0x2  }
0x91: {  	s4 =	simm.s32 $0xA;
	s5 =	simm.s32 $0x10;
	s15 =	sld [smem:$0x3FC9]  }
0x92: {  	[smem:s5], [sflag:s4] =	dma.local [hbm:s2], $0x1  }
0x93: {  	_ =	swait.eq [sflag:s4], $0x1  }
0x94: {  	[sflag:s4] =	ssyncset.done $0x0  }
0x95: {  	[sflag:s4] =	ssyncadd.s32 $0xFFFFFFFF  }
0x96: {  	s16 =	sld [smem:$0x10];
	(tm) =	ssettm $0x1  }
0x97: {  	s17 =	sld [smem:$0x3FFB];
	_ =	sdelay $0x3  }
0x98: {  	_ =	strace s17  }
0x99: {  	s4 =	sld [smem:$0x3FFC];
	_ =	sdelay $0x3  }
0x9a: {  	_ =	strace s4  }
0x9b: {  	s4 =	sld [smem:$0x3FFD];
	_ =	sdelay $0x3  }
0x9c: {  	_ =	strace s4  }
0x9d: {  	_ =	strace $0x8FFFFFFF  }
0x9e: {  	s18 =	sld [smem:$0x3FDB];
	_ =	sdelay $0x1  }
0x9f: {  	s19 =	simm.s32 $_scs_section_size  }
0xa0: {  	s6 =	simm.s32 $_size__tile_overlayer_lowered;
	s7 =	simm.s32 $_tile_overlayer_lowered  }
0xa1: {  	s22 =	simm.s32 $0x1BFF;
	s21 =	sshll.u32 s7, $0x1;
	s4 =	sadd.s32 s19, s18  }
0xa2: {  	s8 =	simm.s32 $0x0;
	s20 =	sshll.u32 s6, $0x1;
	s6 =	sadd.s32 s21, s4  }
0xa3: {  	[timem:s8], [sflag:s22] =	dma.local [hbm:s6], s20  }
0xa4: {  	_ =	swait.ge [sflag:s22], s20  }
0xa5: {  	s5 =	ssub.s32 $0x0, s20;
	[sflag:s22] =	ssyncset.done $0x0  }
0xa6: {  	[sflag:s22] =	ssyncadd.s32 s5;
	_ =	sdelay $0x1  }
0xa7: {  	s23 =	simm.s32 $0x1B8B  }
0xa8: {  	_ =	swait.ge [sflag:s23], $0x1  }
0xa9: {  	[sflag:s23] =	ssyncset.done $0x0  }
0xaa: {  	s25 =	simm.s32 $0x1B8E;
	s24 =	sld [smem:$0x3FFE];
	[sflag:s23] =	ssyncadd.s32 $0xFFFFFFFF  }
0xab: {  	s26 =	simm.s32 $execute0_lowered;
	[smem:$0x3FD2] =	sst s25  }
0xac: {  	s6 =	sshll.u32 s26, $0x1;
	_ =	strace $0x80000049;
	[dreg:$0x1] =	wrdreg $0xFFFFFFFF  }
0xad: {  	s28 =	simm.s32 $_size_execute0_lowered;
	s4 =	sadd.s32 s4, s6;
	[dreg:$0x0] =	wrdreg $0x0  }
0xae: {  	s6 =	sshll.u32 s28, $0x1;
	[dreg:$0x2] =	wrdreg s4  }
0xaf: {  	[dreg:$0x3] =	wrdreg s6  }
0xb0: {  	[dreg:$0x4] =	wrdreg $0xC0  }
0xb1: {  	_ =	task [dreg:s8], $0x5FFFF  }
0xb2: {  	[dreg:$0x1] =	wrdreg $0xFFFFFFFF  }
0xb3: {  	[dreg:$0x0] =	wrdreg $0x60  }
0xb4: {  	[dreg:$0x2] =	wrdreg s15  }
0xb5: {  	[dreg:$0x3] =	wrdreg s24  }
0xb6: {  	[dreg:$0x4] =	wrdreg s16  }
0xb7: {  	[dreg:$0x5] =	wrdreg $0x9  }
0xb8: {  	_ =	task.clear_ibuf [dreg:s8], $0x6FFFF;
	_ =	strace $0x90000049  }
0xb9: {  	s29 =	simm.s32 $0x9;
	_ =	strace $0x8000004B  }
0xba: {  	_ =	swait.ge [sflag:s29], $0x1  }
0xbb: {  	[sflag:s29] =	ssyncadd.s32 $0xFFFFFFFF  }
0xbc: {  	_ =	strace $0x9000004B  }
0xbd: {  	_ =	sfence  }
0xbe: {  	s30 =	sld [smem:$0x0];
	_ =	sdelay $0x2  }
0xbf: {  	s31 =	sshll.u32 s1, $0xD;
	s1 =	sshrl.u32 s1, $0x2  }
0xc0: {  	s3 =	sand.u32 $0x4000, s31;
	s1 =	sadd.s32 s1, s30  }
0xc1: {  	s0 =	sor.u32 s3, s0;
	s1 =	sshll.u32 s1, $0x11  }
0xc2: {  	s0 =	sor.u32 s1, s0  }
0xc3: {  	s0 =	sadd.s32 $0x8F2B, s0  }
0xc4: {  	[sflag:s0] =	ssyncadd.remote.s32 $0x1  }
0xc5: {  	_ =	sfence.sel $0xFFFF  }
0xc6: {  	[dreg:$0x0] =	wrdreg $0xFFFFFFFF;
	(pc) =	sbr.abs _section_cstart, $3  }
0xc7: {  	[dreg:$0x1] =	wrdreg $0xFFFFFFFF  }
0xc8: {  	_ =	task.clear_ibuf [dreg:s8], $0x2FFFF;
	_ =	strace $0x9FFFFFFF  }
0xc9: {  	(tm) =	ssettm $0x7FFFFFFF  }
tec
execute0_lowered:
.L_overlay_start_1:
0x0: {  	(tag) =	ssettag $0x1  }
0x1: {  	s16 =	rddreg [dreg:$0x0]  }
0x2: {  	s15 =	rddreg [dreg:$0x1]  }
0x3: {  	s1 =	rddreg [dreg:$0x2]  }
0x4: {  	s2 =	srdreg.scid;
	s0 =	rddreg [dreg:$0x3];
	s3 =	simm.s32 $0x0  }
0x5: {  	s5 =	sand.u32 $0x1, s2;
	[smem:$0x7FF] =	sst s3  }
0x6: {  	v47 =	vlaneseq.u32;
	s2 =	stileid.u32;
	s14 =	sadd.s32 $0x600, s15;
	s4 =	sshll.u32 s5, $0x4  }
0x7: {  	v48 =	vmul.u32 $0xFFFFFFFF, v47;
	_ =	strace $0x8000004A;
	s5 =	ssub.s32 $0x2, s5;
	s23 =	sor.u32 s2, s4  }
0x8: {  	s4 =	sadd.s32 $0xC00, s15;
	s6 =	sshrl.u32 s5, $0x1;
	s17 =	sshll.u32 s23, $0x7  }
0x9: {  	v48 =	vadd.s32 $0x27FF, v48;
	s18 =	ssub.s32 s5, s6;
	s24 =	sshll.u32 s23, $0x4;
	s7 =	sor.u32 $0x10, s17  }
0xa: {  	s10 =	sshll.u32 s23, $0xB;
	p0 =	sgt.u32 s23, $0xD;
	v0 =	vmov s17;
	v1 =	vor.u32 s17, v47;
	s8 =	sor.u32 $0x20, s17;
	v2 =	vmov s7  }
0xb: {  	p1 =	sne.s32 s23, $0xE;
	s25 =	sor.u32 $0x30, s17;
	s26 =	sor.u32 $0x40, s17;
	v3 =	vor.u32 s7, v47;
	v4 =	vmov s8;
	v5 =	vor.u32 s8, v47  }
0xc: {  	s5 =	sadd.s32 s14, s24;
	s28 =	sor.u32 $0x50, s17;
	s6 =	sadd.s32 s15, s24;
	v6 =	vmov s25;
	v7 =	vor.u32 s25, v47;
	v8 =	vmov s26  }
0xd: {  	s29 =	sor.u32 $0x60, s17;
	s9 =	sor.u32 $0x1000, s17;
	s30 =	sor.u32 $0x70, s17;
	v9 =	vor.u32 s26, v47;
	v10 =	vmov s28;
	v11 =	vor.u32 s28, v47  }
0xe: {  	s31 =	sor.u32 $0x1010, s17;
	s13 =	sor.u32 $0x1020, s17;
	s19 =	sor.u32 $0x1030, s17;
	v12 =	vmov s29;
	v13 =	vor.u32 s29, v47;
	v14 =	vmov s30  }
0xf: {  	s20 =	sor.u32 $0x1050, s17;
	s21 =	sor.u32 $0x1060, s17;
	s22 =	sor.u32 $0x1070, s17;
	v15 =	vor.u32 s30, v47;
	v16 =	vmov s9;
	v17 =	vor.u32 s9, v47  }
0x10: {  	s11 =	sshrl.u32 s9, $0x3;
	s7 =	sadd.s32 s16, s10;
	s12 =	sshll.u32 s9, $0x4;
	v20 =	vmov s13;
	v21 =	vor.u32 s13, v47;
	v26 =	vmov s20  }
0x11: {  	s13 =	sor.u32 $0x1040, s17;
	v27 =	vor.u32 s20, v47;
	v28 =	vmov s21;
	s20 =	sor.u32 $0x2000, s17;
	v29 =	vor.u32 s21, v47;
	s21 =	sor.u32 $0x2010, s17  }
0x12: {  	v18 =	vmov s31;
	v19 =	vor.u32 s31, v47;
	v22 =	vmov s19;
	s25 =	sor.u32 $0x2020, s17;
	s26 =	sor.u32 $0x2030, s17;
	s28 =	sor.u32 $0x2040, s17  }
0x13: {  	v23 =	vor.u32 s19, v47;
	v30 =	vmov s22;
	v31 =	vor.u32 s22, v47;
	s29 =	sor.u32 $0x2050, s17;
	s30 =	sor.u32 $0x2060, s17;
	s31 =	sor.u32 $0x2070, s17  }
0x14: {  	s17 =	smax.u32 s18, $0x1;
	s18 =	simm.s32 $0x80;
	s19 =	simm.s32 $0x1;
	v24 =	vmov s13;
	v25 =	vor.u32 s13, v47;
	v32 =	vmov s20  }
.Ltmp0:
0x15: {  	s22 =	simm.s32 $0x4180;
	s8 =	sadd.s32 s14, s11;
	v33 =	vor.u32 s20, v47;
	v34 =	vmov s21;
	v35 =	vor.u32 s21, v47;
	(pc) =	sbr.rel .LBB2_1-.Ltmp0, $4  }
0x16: {  	s9 =	sadd.s32 s15, s11;
	s10 =	sadd.s32 s16, s12;
	s11 =	sadd.s32 $0xAE0, s15;
	v36 =	vmov s25;
	v37 =	vor.u32 s25, v47;
	v38 =	vmov s26  }
0x17: {  	s12 =	sadd.s32 $0x4E0, s15;
	s13 =	sadd.s32 $0x27000, s16;
	s24 =	sshrl.u32 s20, $0x3;
	v39 =	vor.u32 s26, v47;
	v40 =	vmov s28;
	v41 =	vor.u32 s28, v47  }
0x18: {  	s20 =	sshll.u32 s20, $0x4;
	v42 =	vmov s29;
	v43 =	vor.u32 s29, v47;
	v44 =	vmov s30;
	s21 =	simm.s32 $0x180;
	s14 =	sadd.s32 s14, s24  }
0x19: {  	v45 =	vor.u32 s30, v47;
	v46 =	vmov s31;
	v47 =	vor.u32 s31, v47;
	s15 =	sadd.s32 s15, s24;
	s16 =	sadd.s32 s16, s20;
	s20 =	simm.s32 $0x100  }
.LBB2_3:
0x1a: {  	s23 =	simm.s32 @!p1 $0x0;
	s24 =	simm.s32 @!p1 $0x4280  }
0x1b: {  	[tilespmem:s24], [sflag:$0x1] =	stream.linear.gather @!p1 [hbm4b:s11+s23], $0x10, $0x38;
	[tilespmem:$0x4C00] =	vst v63  }
0x1c: {  	s24 =	simm.s32 @!p1 $0x1  }
0x1d: {  	_ =	swait.ge @!p1 [sflag:s24], $0x10  }
0x1e: {  	[sflag:s24] =	ssyncset.done @!p1 $0x0  }
0x1f: {  	s25 =	simm.s32 @!p1 $0x4300;
	[sflag:s24] =	ssyncadd.s32 @!p1 $0xFFFFFFF0  }
0x20: {  	[tilespmem:s25], [sflag:$0x1] =	stream.linear.gather @!p1 [hbm4b:s12+s23], $0x10, $0x38;
	[tilespmem:$0x4C00] =	vst v63  }
0x21: {  	_ =	swait.ge @!p1 [sflag:s24], $0x10  }
0x22: {  	[sflag:s24] =	ssyncset.done @!p1 $0x0  }
0x23: {  	s25 =	simm.s32 @!p1 $0x4380;
	[sflag:s24] =	ssyncadd.s32 @!p1 $0xFFFFFFF0  }
0x24: {  	[tilespmem:s25], [sflag:$0x1] =	stream.linear.gather @!p1 [hbm4b:s13+s23], $0x800, $0x38;
	[tilespmem:$0x4C00] =	vst v63  }
0x25: {  	_ =	swait.ge @!p1 [sflag:s24], $0x800  }
0x26: {  	[sflag:s24] =	ssyncset.done @!p1 $0x0  }
0x27: {  	[sflag:s24] =	ssyncadd.s32 @!p1 $0xFFFFF800  }
0x28: {  	v49 =	vld @!p1 [tilespmem:$0x4280]  }
0x29: {  	v50 =	vld @!p1 [tilespmem:$0x4300];
	_ =	sdelay $0x1  }
0x2a: {  	v51 =	vlaneseq.u32 @!p1  }
0x2b: {  	v52 =	vmul.u32 @!p1 $0xFFFFFFFF, v51;
	_ =	sdelay $0x1  }
0x2c: {  	v49 =	vsub.s32 @!p1 v49, v50;
	v50 =	vor.u32 @!p1 $0x2700, v51;
	v51 =	vadd.s32 @!p1 $0xFF, v52  }
0x2d: {  	[tilespmem:$0x4B80] =	vst @!p1 v50;
	v49 =	vadd.s32 @!p1 v51, v49  }
0x2e: {  	s26 =	simm.s32 @!p1 $0x4200;
	s23 =	simm.s32 @!p1 $0x10;
	[tilespmem:$0x4200] =	vst @!p1 v49  }
0x2f: {  	[hbm4b:s1+s23] =	stream.indirect.scatter @!p1 [tilespmem:s25], [sflag:$0x1], $0x80, s26, s23, $0xb8;
	[tilespmem:$0x4C00] =	vst v63  }
0x30: {  	_ =	swait.ge @!p1 [sflag:s24], $0x800  }
0x31: {  	[sflag:s24] =	ssyncset.done @!p1 $0x0  }
0x32: {  	s25 =	simm.s32 @!p1 $0x4B80;
	[sflag:s24] =	ssyncadd.s32 @!p1 $0xFFFFF800  }
0x33: {  	[hbm4b:s4+s23] =	stream.indirect.scatter @!p1 [tilespmem:s25], [sflag:$0x1], $0x1, s26, s23, $0xb8;
	[tilespmem:$0x4C00] =	vst v63  }
0x34: {  	_ =	swait.ge @!p1 [sflag:s24], $0x10  }
0x35: {  	[sflag:s24] =	ssyncset.done @!p1 $0x0  }
0x36: {  	[sflag:s24] =	ssyncadd.s32 @!p1 $0xFFFFFFF0  }
.LBB2_4:
0x37: {  	s17 =	sadd.s32 $0xFFFFFFFF, s17  }
0x38: {  	p2 =	sne.s32 s17, $0x0  }
.Ltmp1:
0x39: {  	_ = 	snop;
	(pc) =	sbr.rel @!p2 .LBB2_5-.Ltmp1, $1  }
0x3a: {  	_ =	sdelay $0x3  }
.LBB2_1:
0x3b: {  	[tilespmem:s18], [sflag:$0x1] =	stream.linear.gather [hbm4b:s5+s3], $0x80, $0x38;
	[tilespmem:$0x4C00] =	vst v63  }
0x3c: {  	_ =	swait.ge [sflag:s19], $0x80  }
0x3d: {  	[sflag:s19] =	ssyncset.done $0x0  }
0x3e: {  	[sflag:s19] =	ssyncadd.s32 $0xFFFFFF80  }
0x3f: {  	[tilespmem:s20], [sflag:$0x1] =	stream.linear.gather [hbm4b:s6+s3], $0x80, $0x38;
	[tilespmem:$0x4C00] =	vst v63  }
0x40: {  	_ =	swait.ge [sflag:s19], $0x80  }
0x41: {  	[sflag:s19] =	ssyncset.done $0x0  }
0x42: {  	[sflag:s19] =	ssyncadd.s32 $0xFFFFFF80  }
0x43: {  	[tilespmem:s21], [sflag:$0x1] =	stream.linear.gather [hbm4b:s7+s3], $0x4000, $0x38;
	[tilespmem:$0x4C00] =	vst v63  }
0x44: {  	_ =	swait.ge [sflag:s19], $0x4000  }
0x45: {  	[sflag:s19] =	ssyncset.done $0x0  }
0x46: {  	[sflag:s19] =	ssyncadd.s32 $0xFFFFC000  }
0x47: {  	v49 =	vld [tilespmem:$0x100]  }
0x48: {  	v50 =	vld [tilespmem:$0x80]  }
0x49: {  	v51 =	vld [tilespmem:$0x110]  }
0x4a: {  	v52 =	vld [tilespmem:$0x90]  }
0x4b: {  	v53 =	vld [tilespmem:$0x120]  }
0x4c: {  	v54 =	vld [tilespmem:$0xA0]  }
0x4d: {  	v58 =	vld [tilespmem:$0x130]  }
0x4e: {  	[tilespmem:$0x4180] =	vst v1;
	v55 =	vld [tilespmem:$0xB0]  }
0x4f: {  	[tilespmem:$0x4190] =	vst v3;
	v61 =	vld [tilespmem:$0xC0]  }
0x50: {  	v63 =	vld [tilespmem:$0x150];
	[tilespmem:$0x41A0] =	vst v5  }
0x51: {  	v57 =	vld [tilespmem:$0xD0];
	[tilespmem:$0x41B0] =	vst v7;
	v49 =	vadd.s32 v49, v0;
	v51 =	vadd.s32 v51, v2  }
0x52: {  	[tilespmem:$0x41C0] =	vst v9;
	v60 =	vadd.s32 v53, v4;
	v49 =	vsub.s32 v50, v49;
	v59 =	vsub.s32 v52, v51;
	v51 =	vld [tilespmem:$0x140]  }
0x53: {  	[tilespmem:$0x41D0] =	vst v11;
	v62 =	vsub.s32 v54, v60;
	v60 =	vld [tilespmem:$0xE0];
	v49 =	vadd.s32 v48, v49  }
0x54: {  	[tilespmem:$0x0] =	vst v49;
	v49 =	vadd.s32 v48, v59;
	v59 =	vld [tilespmem:$0x160]  }
0x55: {  	[tilespmem:$0x10] =	vst v49;
	v49 =	vadd.s32 v48, v62;
	v62 =	vld [tilespmem:$0x170]  }
0x56: {  	[tilespmem:$0x41E0] =	vst v13;
	v50 =	vadd.s32 v58, v6;
	v52 =	vadd.s32 v63, v10;
	v63 =	vld [tilespmem:$0xF0]  }
0x57: {  	[tilespmem:$0x41F0] =	vst v15;
	v58 =	vsub.s32 v55, v50;
	v51 =	vadd.s32 v51, v8  }
0x58: {  	[tilespmem:$0x20] =	vst v49;
	v49 =	vadd.s32 v48, v58;
	v61 =	vsub.s32 v61, v51  }
0x59: {  	v56 =	vsub.s32 v57, v52;
	[tilespmem:$0x30] =	vst v49;
	v49 =	vadd.s32 v48, v61;
	v50 =	vadd.s32 v59, v12  }
0x5a: {  	[tilespmem:$0x40] =	vst v49;
	v49 =	vadd.s32 v48, v56;
	v57 =	vsub.s32 v60, v50;
	v58 =	vadd.s32 v62, v14  }
0x5b: {  	[tilespmem:$0x50] =	vst v49;
	v49 =	vadd.s32 v48, v57;
	v59 =	vsub.s32 v63, v58  }
0x5c: {  	[tilespmem:$0x60] =	vst v49;
	v49 =	vadd.s32 v48, v59  }
0x5d: {  	[tilespmem:$0x70] =	vst v49  }
0x5e: {  	[hbm4b:s1+s18] =	stream.indirect.scatter [tilespmem:s21], [sflag:$0x1], $0x80, s3, s18, $0xb8;
	[tilespmem:$0x4C00] =	vst v63  }
0x5f: {  	_ =	swait.ge [sflag:s19], $0x4000  }
0x60: {  	[sflag:s19] =	ssyncset.done $0x0  }
0x61: {  	[sflag:s19] =	ssyncadd.s32 $0xFFFFC000  }
0x62: {  	[hbm4b:s4+s18] =	stream.indirect.scatter [tilespmem:s22], [sflag:$0x1], $0x1, s3, s18, $0xb8;
	[tilespmem:$0x4C00] =	vst v63  }
0x63: {  	_ =	swait.ge [sflag:s19], $0x80  }
0x64: {  	[sflag:s19] =	ssyncset.done $0x0  }
0x65: {  	[sflag:s19] =	ssyncadd.s32 $0xFFFFFF80  }
0x66: {  	[tilespmem:s18], [sflag:$0x1] =	stream.linear.gather [hbm4b:s8+s3], $0x80, $0x38;
	[tilespmem:$0x4C00] =	vst v63  }
0x67: {  	_ =	swait.ge [sflag:s19], $0x80  }
0x68: {  	[sflag:s19] =	ssyncset.done $0x0  }
0x69: {  	[sflag:s19] =	ssyncadd.s32 $0xFFFFFF80  }
0x6a: {  	[tilespmem:s20], [sflag:$0x1] =	stream.linear.gather [hbm4b:s9+s3], $0x80, $0x38;
	[tilespmem:$0x4C00] =	vst v63  }
0x6b: {  	_ =	swait.ge [sflag:s19], $0x80  }
0x6c: {  	[sflag:s19] =	ssyncset.done $0x0  }
0x6d: {  	[sflag:s19] =	ssyncadd.s32 $0xFFFFFF80  }
0x6e: {  	[tilespmem:s21], [sflag:$0x1] =	stream.linear.gather [hbm4b:s10+s3], $0x4000, $0x38;
	[tilespmem:$0x4C00] =	vst v63  }
0x6f: {  	_ =	swait.ge [sflag:s19], $0x4000  }
0x70: {  	[sflag:s19] =	ssyncset.done $0x0  }
0x71: {  	[sflag:s19] =	ssyncadd.s32 $0xFFFFC000  }
0x72: {  	v49 =	vld [tilespmem:$0x80]  }
0x73: {  	v60 =	vld [tilespmem:$0x100]  }
0x74: {  	v61 =	vld [tilespmem:$0x90]  }
0x75: {  	v62 =	vld [tilespmem:$0x110]  }
0x76: {  	v53 =	vld [tilespmem:$0xA0]  }
0x77: {  	v63 =	vld [tilespmem:$0x120]  }
0x78: {  	v55 =	vld [tilespmem:$0xB0]  }
0x79: {  	v56 =	vld [tilespmem:$0x130];
	[tilespmem:$0x4180] =	vst v17  }
0x7a: {  	v57 =	vld [tilespmem:$0x140];
	[tilespmem:$0x4190] =	vst v19  }
0x7b: {  	v58 =	vld [tilespmem:$0xC0];
	[tilespmem:$0x41A0] =	vst v21  }
0x7c: {  	v52 =	vld [tilespmem:$0xD0];
	[tilespmem:$0x41B0] =	vst v23;
	v50 =	vadd.s32 v60, v16;
	v60 =	vadd.s32 v62, v18  }
0x7d: {  	v54 =	vld [tilespmem:$0x150];
	[tilespmem:$0x41C0] =	vst v25;
	v49 =	vsub.s32 v49, v50;
	v50 =	vsub.s32 v61, v60;
	v61 =	vadd.s32 v63, v20  }
0x7e: {  	[tilespmem:$0x41D0] =	vst v27;
	v59 =	vadd.s32 v56, v22;
	v60 =	vld [tilespmem:$0x160];
	v62 =	vadd.s32 v48, v50;
	v63 =	vsub.s32 v53, v61  }
0x7f: {  	[tilespmem:$0x10] =	vst v62;
	v61 =	vadd.s32 v48, v63;
	v62 =	vsub.s32 v55, v59;
	v63 =	vadd.s32 v57, v24;
	v57 =	vld [tilespmem:$0xE0]  }
0x80: {  	[tilespmem:$0x41E0] =	vst v29;
	v50 =	vadd.s32 v48, v62;
	v62 =	vld [tilespmem:$0x170]  }
0x81: {  	[tilespmem:$0x41F0] =	vst v31;
	v49 =	vadd.s32 v48, v49;
	v58 =	vsub.s32 v58, v63;
	v63 =	vld [tilespmem:$0xF0]  }
0x82: {  	[tilespmem:$0x0] =	vst v49  }
0x83: {  	v59 =	vadd.s32 v54, v26;
	[tilespmem:$0x30] =	vst v50;
	v49 =	vadd.s32 v48, v58;
	v60 =	vadd.s32 v60, v28  }
0x84: {  	[tilespmem:$0x40] =	vst v49;
	v49 =	vsub.s32 v52, v59;
	v50 =	vsub.s32 v57, v60  }
0x85: {  	[tilespmem:$0x20] =	vst v61;
	v49 =	vadd.s32 v48, v49;
	v61 =	vadd.s32 v48, v50;
	v50 =	vadd.s32 v62, v30  }
0x86: {  	[tilespmem:$0x50] =	vst v49;
	v49 =	vsub.s32 v63, v50  }
0x87: {  	[tilespmem:$0x60] =	vst v61;
	v49 =	vadd.s32 v48, v49  }
0x88: {  	[tilespmem:$0x70] =	vst v49  }
0x89: {  	[hbm4b:s1+s18] =	stream.indirect.scatter [tilespmem:s21], [sflag:$0x1], $0x80, s3, s18, $0xb8;
	[tilespmem:$0x4C00] =	vst v63  }
0x8a: {  	_ =	swait.ge [sflag:s19], $0x4000  }
0x8b: {  	[sflag:s19] =	ssyncset.done $0x0  }
.Ltmp2:
0x8c: {  	[sflag:s19] =	ssyncadd.s32 $0xFFFFC000;
	(pc) =	sbr.rel @p0 .LBB2_3-.Ltmp2, $4  }
0x8d: {  	[hbm4b:s4+s18] =	stream.indirect.scatter [tilespmem:s22], [sflag:$0x1], $0x1, s3, s18, $0xb8;
	[tilespmem:$0x4C00] =	vst v63  }
0x8e: {  	_ =	swait.ge [sflag:s19], $0x80  }
0x8f: {  	[sflag:s19] =	ssyncset.done $0x0  }
0x90: {  	[sflag:s19] =	ssyncadd.s32 $0xFFFFFF80  }
0x91: {  	[tilespmem:s18], [sflag:$0x1] =	stream.linear.gather [hbm4b:s14+s3], $0x80, $0x38;
	[tilespmem:$0x4C00] =	vst v63  }
0x92: {  	_ =	swait.ge [sflag:s19], $0x80  }
0x93: {  	[sflag:s19] =	ssyncset.done $0x0  }
0x94: {  	[sflag:s19] =	ssyncadd.s32 $0xFFFFFF80  }
0x95: {  	[tilespmem:s20], [sflag:$0x1] =	stream.linear.gather [hbm4b:s15+s3], $0x80, $0x38;
	[tilespmem:$0x4C00] =	vst v63  }
0x96: {  	_ =	swait.ge [sflag:s19], $0x80  }
0x97: {  	[sflag:s19] =	ssyncset.done $0x0  }
0x98: {  	[sflag:s19] =	ssyncadd.s32 $0xFFFFFF80  }
0x99: {  	[tilespmem:s21], [sflag:$0x1] =	stream.linear.gather [hbm4b:s16+s3], $0x4000, $0x38;
	[tilespmem:$0x4C00] =	vst v63  }
0x9a: {  	_ =	swait.ge [sflag:s19], $0x4000  }
0x9b: {  	[sflag:s19] =	ssyncset.done $0x0  }
0x9c: {  	[sflag:s19] =	ssyncadd.s32 $0xFFFFC000  }
0x9d: {  	v49 =	vld [tilespmem:$0x80]  }
0x9e: {  	v50 =	vld [tilespmem:$0x100]  }
0x9f: {  	v51 =	vld [tilespmem:$0x90]  }
0xa0: {  	v52 =	vld [tilespmem:$0x110]  }
0xa1: {  	v53 =	vld [tilespmem:$0xA0]  }
0xa2: {  	v54 =	vld [tilespmem:$0x120]  }
0xa3: {  	v55 =	vld [tilespmem:$0xB0]  }
0xa4: {  	v56 =	vld [tilespmem:$0x130];
	[tilespmem:$0x4180] =	vst v33  }
0xa5: {  	v57 =	vld [tilespmem:$0x140];
	[tilespmem:$0x4190] =	vst v35  }
0xa6: {  	v58 =	vld [tilespmem:$0xC0];
	[tilespmem:$0x41A0] =	vst v37  }
0xa7: {  	[tilespmem:$0x41B0] =	vst v39;
	v50 =	vadd.s32 v50, v32;
	v60 =	vadd.s32 v52, v34;
	v52 =	vld [tilespmem:$0xD0]  }
0xa8: {  	[tilespmem:$0x41C0] =	vst v41;
	v61 =	vadd.s32 v54, v36;
	v54 =	vld [tilespmem:$0x150];
	v49 =	vsub.s32 v49, v50;
	v50 =	vsub.s32 v51, v60  }
0xa9: {  	[tilespmem:$0x41D0] =	vst v43;
	v59 =	vadd.s32 v56, v38;
	v63 =	vsub.s32 v53, v61;
	v60 =	vld [tilespmem:$0x160];
	v62 =	vadd.s32 v48, v50  }
0xaa: {  	v61 =	vadd.s32 v48, v63;
	v63 =	vadd.s32 v57, v40;
	v57 =	vld [tilespmem:$0xE0];
	[tilespmem:$0x10] =	vst v62;
	v62 =	vsub.s32 v55, v59  }
0xab: {  	[tilespmem:$0x41E0] =	vst v45;
	v50 =	vadd.s32 v48, v62;
	v62 =	vld [tilespmem:$0x170]  }
0xac: {  	[tilespmem:$0x41F0] =	vst v47;
	v49 =	vadd.s32 v48, v49;
	v58 =	vsub.s32 v58, v63;
	v63 =	vld [tilespmem:$0xF0]  }
0xad: {  	[tilespmem:$0x0] =	vst v49  }
0xae: {  	v49 =	vadd.s32 v48, v58;
	[tilespmem:$0x30] =	vst v50;
	v59 =	vadd.s32 v54, v42;
	v60 =	vadd.s32 v60, v44  }
0xaf: {  	[tilespmem:$0x40] =	vst v49;
	v49 =	vsub.s32 v52, v59;
	v50 =	vsub.s32 v57, v60  }
0xb0: {  	[tilespmem:$0x20] =	vst v61;
	v49 =	vadd.s32 v48, v49;
	v61 =	vadd.s32 v48, v50;
	v50 =	vadd.s32 v62, v46  }
0xb1: {  	[tilespmem:$0x50] =	vst v49;
	v49 =	vsub.s32 v63, v50  }
0xb2: {  	[tilespmem:$0x60] =	vst v61;
	v49 =	vadd.s32 v48, v49  }
0xb3: {  	[tilespmem:$0x70] =	vst v49  }
0xb4: {  	[hbm4b:s1+s18] =	stream.indirect.scatter [tilespmem:s21], [sflag:$0x1], $0x80, s3, s18, $0xb8;
	[tilespmem:$0x4C00] =	vst v63  }
0xb5: {  	_ =	swait.ge [sflag:s19], $0x4000  }
0xb6: {  	[sflag:s19] =	ssyncset.done $0x0  }
.Ltmp3:
0xb7: {  	[sflag:s19] =	ssyncadd.s32 $0xFFFFC000;
	(pc) =	sbr.rel .LBB2_4-.Ltmp3, $4  }
0xb8: {  	[hbm4b:s4+s18] =	stream.indirect.scatter [tilespmem:s22], [sflag:$0x1], $0x1, s3, s18, $0xb8;
	[tilespmem:$0x4C00] =	vst v63  }
0xb9: {  	_ =	swait.ge [sflag:s19], $0x80  }
0xba: {  	[sflag:s19] =	ssyncset.done $0x0  }
0xbb: {  	[sflag:s19] =	ssyncadd.s32 $0xFFFFFF80  }
.LBB2_5:
0xbc: {  	_ =	sfence.sel $0x180000  }
0xbd: {  	[bflag:$0x0] =	sbarrier.arrive $0xFFFF  }
0xbe: {  	p0 =	sne.s32 s2, $0x0;
	_ =	strace $0x9000004A  }
0xbf: {  	s0 =	sadd.s32 @!p0 $0x100000, s0;
	[bflag:$0x2] =	sbarrier.arrive $0xFFFF  }
0xc0: {  	[sflag:s0] =	ssyncadd.tile.s32 @!p0 $0x1;
	_ =	shalt  }
.Lfunc_end2:
_tile_overlayer_lowered:
.L_overlay_start_2:
0xc1: {  	(tag) =	ssettag $0x2  }
0xc2: {  	s0 =	rddreg [dreg:$0x0];
	s2 =	stileid.u32  }
0xc3: {  	s1 =	rddreg [dreg:$0x1];
	p0 =	sne.s32 s2, $0x0  }
0xc4: {  	s3 =	rddreg [dreg:$0x2];
	[bflag:$0x3] =	sbarrier.arrive $0xFFFF;
	s2 =	simm.s32 @!p0 $0x1C01  }
0xc5: {  	[timem:s3], [sflag:s2] =	dma.local @!p0 [hbm:s0], s1  }
0xc6: {  	s0 =	simm.s32 @!p0 $0x1  }
0xc7: {  	_ =	swait.ge @!p0 [sflag:s0], s1  }
0xc8: {  	s1 =	ssub.s32 @!p0 $0x0, s1;
	[sflag:s0] =	ssyncset.done @!p0 $0x0  }
0xc9: {  	[sflag:s0] =	ssyncadd.s32 @!p0 s1  }
0xca: {  	[bflag:$0x3] =	sbarrier.arrive $0xFFFF  }
0xcb: {  	_ =	shalt  }

</sc_bundles>
